<compile_context>
chip_gen: v7x
topology: tpu7x:2x2x1
jax: 0.10.2.dev20260603
libtpu: 0.0.44.dev20260713+nightly
codegen_flags: <defaults>
</compile_context>

<pallas_src>
import functools

import jax
import jax.numpy as jnp
from jax import lax
from jax.experimental import pallas as pl
from jax.experimental.pallas import tpu as pltpu
from jax.experimental.pallas import tpu_sc as plsc

_NUM_WORKERS = 32
_CHUNK = 8
_NBUF = 8


@functools.lru_cache(maxsize=None)
def _build_gather(V, D, n_total):
    n_per_w = n_total // _NUM_WORKERS
    n_chunks = n_per_w // _CHUNK
    mesh = plsc.VectorSubcoreMesh(core_axis_name="c", subcore_axis_name="s")

    @functools.partial(
        pl.kernel,
        mesh=mesh,
        out_type=jax.ShapeDtypeStruct((n_total, D), jnp.float32),
        scratch_types=(
            [pltpu.VMEM((n_chunks, _CHUNK), jnp.int32)]
            + [pltpu.VMEM((_CHUNK, D), jnp.float32)] * _NBUF
            + [pltpu.SemaphoreType.DMA] * _NBUF
        ),
    )
    def gather_kernel(table_hbm, idx_hbm, out_hbm, idx_v, *rest):
        bufs = tuple(zip(rest[:_NBUF], rest[_NBUF:]))
        wid = lax.axis_index("s") * 2 + lax.axis_index("c")
        pltpu.sync_copy(idx_hbm.at[wid], idx_v)
        base = wid * n_per_w

        for b, (buf, sem) in enumerate(bufs):
            pltpu.async_copy(table_hbm.at[idx_v.at[b]], buf, sem)

        def body(i, carry):
            for b, (buf, sem) in enumerate(bufs):
                j = _NBUF * i + b
                pltpu.make_async_copy(table_hbm.at[idx_v.at[j]], buf, sem).wait()
                pltpu.sync_copy(buf, out_hbm.at[pl.ds(base + j * _CHUNK, _CHUNK)])
                pltpu.async_copy(table_hbm.at[idx_v.at[j + _NBUF]], buf, sem)
            return carry

        lax.fori_loop(0, n_chunks // _NBUF - 1, body, 0)

        for b, (buf, sem) in enumerate(bufs):
            j = n_chunks - _NBUF + b
            pltpu.make_async_copy(table_hbm.at[idx_v.at[j]], buf, sem).wait()
            pltpu.sync_copy(buf, out_hbm.at[pl.ds(base + j * _CHUNK, _CHUNK)])

    return gather_kernel


def kernel(input_ids, embed_tokens):
    B, S = input_ids.shape
    V, D = embed_tokens.shape
    n_total = B * S
    ids = input_ids.reshape(_NUM_WORKERS, (n_total // _NUM_WORKERS) // _CHUNK,
                            _CHUNK).astype(jnp.int32)
    out = _build_gather(V, D, n_total)(embed_tokens, ids)
    return out.reshape(B, S, D)

# --- scband reference (transcript-rebuilt; emitter-appended) ---
"""Pipeline reference for scband-mock-qwen-model-3624952398523 (READ-ONLY COPY).

The authoritative reference and input builder live on the scoring server;
editing this copy changes nothing except your own understanding.
"""

import jax, jax.numpy as jnp
import numpy as np

VOCAB = 100000
HIDDEN = 1024
B, S = 4, 4096

def setup_inputs(seed: int = 0) -> dict:
    key = jax.random.key(seed)
    k_ids, k_tab = jax.random.split(key)
    input_ids = jax.random.randint(k_ids, (B, S), 0, VOCAB, dtype=jnp.int64 if jax.config.jax_enable_x64 else jnp.int32)
    embed_tokens = jax.random.normal(k_tab, (VOCAB, HIDDEN), dtype=jnp.float32) * 0.02
    return {"input_ids": input_ids, "embed_tokens": embed_tokens}

def reference(input_ids, embed_tokens):
    # MockQwenModel.forward with inputs_embeds=None:
    # inputs_embeds = self.embed_tokens(input_ids); returns Output(last_hidden_state=inputs_embeds)
    inputs_embeds = jnp.take(embed_tokens, input_ids, axis=0)
    return inputs_embeds

if __name__ == "__main__":
    import jax
    _d = setup_inputs()
    print(jax.jit(kernel)(*tuple(_d.values())))

</pallas_src>

<mosaic_0001>
#map = affine_map<(d0, d1) -> (0, 0)>
#map1 = affine_map<(d0, d1) -> (0, 0, 0)>
module attributes {stable_mosaic.version = 14 : i64} {
  func.func @gather_kernel(%arg0: i32, %arg1: i32, %arg2: memref<100000x1024xf32, #tpu.memory_space<hbm>>, %arg3: memref<32x64x8xi32, #tpu.memory_space<hbm>>, %arg4: memref<16384x1024xf32, #tpu.memory_space<hbm>>, %arg5: memref<64x8xi32, #tpu.memory_space<vmem>>, %arg6: memref<8x1024xf32, #tpu.memory_space<vmem>>, %arg7: memref<8x1024xf32, #tpu.memory_space<vmem>>, %arg8: memref<8x1024xf32, #tpu.memory_space<vmem>>, %arg9: memref<8x1024xf32, #tpu.memory_space<vmem>>, %arg10: memref<8x1024xf32, #tpu.memory_space<vmem>>, %arg11: memref<8x1024xf32, #tpu.memory_space<vmem>>, %arg12: memref<8x1024xf32, #tpu.memory_space<vmem>>, %arg13: memref<8x1024xf32, #tpu.memory_space<vmem>>, %arg14: memref<!tpu.dma_semaphore, #tpu.memory_space<semaphore_mem>>, %arg15: memref<!tpu.dma_semaphore, #tpu.memory_space<semaphore_mem>>, %arg16: memref<!tpu.dma_semaphore, #tpu.memory_space<semaphore_mem>>, %arg17: memref<!tpu.dma_semaphore, #tpu.memory_space<semaphore_mem>>, %arg18: memref<!tpu.dma_semaphore, #tpu.memory_space<semaphore_mem>>, %arg19: memref<!tpu.dma_semaphore, #tpu.memory_space<semaphore_mem>>, %arg20: memref<!tpu.dma_semaphore, #tpu.memory_space<semaphore_mem>>, %arg21: memref<!tpu.dma_semaphore, #tpu.memory_space<semaphore_mem>>) attributes {dimension_semantics = [#tpu.dimension_semantics<core_parallel>, #tpu.dimension_semantics<subcore_parallel>], iteration_bounds = array<i64: 2, 16>, scalar_prefetch = 0 : i64, scratch_operands = 17 : i64, tpu.core_type = #tpu.core_type<sc_vector_subcore>, window_params = [{transform_indices = #map}, {transform_indices = #map1}, {transform_indices = #map}]} {
    %mul3A = arith.constant 2 : i32
    %mul3A_0 = arith.muli %arg1, %mul3A : i32
    %add3A = arith.addi %mul3A_0, %arg0 : i32
    "tpu.region"() ({
      %run_scoped3A = tpu.sem_alloc : memref<!tpu.dma_semaphore, #tpu.memory_space<semaphore_mem>>
      %dma_start3A_134 = arith.constant 0 : i32
      %dma_start3A_135 = arith.constant 0 : i32
      %dma_start3A_136 = tpu.memref_slice %arg3[%add3A, %dma_start3A_134, %dma_start3A_135] : memref<32x64x8xi32, #tpu.memory_space<hbm>> -> memref<1x64x8xi32, #tpu.memory_space<hbm>>
      %dma_start3A_137 = tpu.memref_squeeze %dma_start3A_136 : memref<1x64x8xi32, #tpu.memory_space<hbm>> -> memref<64x8xi32, #tpu.memory_space<hbm>>
      %dma_start3A_138 = arith.constant 0 : i32
      %dma_start3A_139 = arith.constant 0 : i32
      %dma_start3A_140 = tpu.memref_slice %arg3[%add3A, %dma_start3A_138, %dma_start3A_139] : memref<32x64x8xi32, #tpu.memory_space<hbm>> -> memref<1x64x8xi32, #tpu.memory_space<hbm>>
      %dma_start3A_141 = tpu.memref_squeeze %dma_start3A_140 : memref<1x64x8xi32, #tpu.memory_space<hbm>> -> memref<64x8xi32, #tpu.memory_space<hbm>>
      tpu.enqueue_dma source(%dma_start3A_141 : memref<64x8xi32, #tpu.memory_space<hbm>>) target(%arg5 : memref<64x8xi32, #tpu.memory_space<vmem>>) target_semaphore(%run_scoped3A : memref<!tpu.dma_semaphore, #tpu.memory_space<semaphore_mem>>)
      %dma_wait3A_142 = arith.constant 0 : i32
      %dma_wait3A_143 = arith.constant 0 : i32
      %dma_wait3A_144 = tpu.memref_slice %arg3[%add3A, %dma_wait3A_142, %dma_wait3A_143] : memref<32x64x8xi32, #tpu.memory_space<hbm>> -> memref<1x64x8xi32, #tpu.memory_space<hbm>>
      %dma_wait3A_145 = tpu.memref_squeeze %dma_wait3A_144 : memref<1x64x8xi32, #tpu.memory_space<hbm>> -> memref<64x8xi32, #tpu.memory_space<hbm>>
      %dma_wait3A_146 = arith.constant 0 : i32
      %dma_wait3A_147 = arith.constant 0 : i32
      %dma_wait3A_148 = tpu.memref_slice %arg3[%add3A, %dma_wait3A_146, %dma_wait3A_147] : memref<32x64x8xi32, #tpu.memory_space<hbm>> -> memref<1x64x8xi32, #tpu.memory_space<hbm>>
      %dma_wait3A_149 = tpu.memref_squeeze %dma_wait3A_148 : memref<1x64x8xi32, #tpu.memory_space<hbm>> -> memref<64x8xi32, #tpu.memory_space<hbm>>
      tpu.wait_dma2 semaphore(%run_scoped3A : memref<!tpu.dma_semaphore, #tpu.memory_space<semaphore_mem>>) src(%dma_wait3A_149 : memref<64x8xi32, #tpu.memory_space<hbm>>) dst(%arg5 : memref<64x8xi32, #tpu.memory_space<vmem>>)
      tpu.yield
    }) : () -> ()
    %mul3A_1 = arith.constant 512 : i32
    %mul3A_2 = arith.muli %add3A, %mul3A_1 : i32
    %dma_start3A = arith.constant 0 : i32
    %dma_start3A_3 = arith.constant 0 : i32
    %dma_start3A_4 = tpu.memref_slice %arg5[%dma_start3A, %dma_start3A_3] : memref<64x8xi32, #tpu.memory_space<vmem>> -> memref<1x8xi32, #tpu.memory_space<vmem>>
    %dma_start3A_5 = tpu.memref_squeeze %dma_start3A_4 : memref<1x8xi32, #tpu.memory_space<vmem>> -> memref<8xi32, #tpu.memory_space<vmem>>
    %dma_start3A_6 = arith.constant 0 : i32
    %dma_start3A_7 = arith.constant 0 : i32
    %dma_start3A_8 = tpu.memref_slice %arg2[%dma_start3A_6, %dma_start3A_7] : memref<100000x1024xf32, #tpu.memory_space<hbm>> -> memref<100000x1024xf32, #tpu.memory_space<hbm>>
    tpu.enqueue_indirect_dma source(%dma_start3A_8 : memref<100000x1024xf32, #tpu.memory_space<hbm>>) target(%arg6 : memref<8x1024xf32, #tpu.memory_space<vmem>>) offsets(%dma_start3A_5 : memref<8xi32, #tpu.memory_space<vmem>>) semaphore(%arg14 : memref<!tpu.dma_semaphore, #tpu.memory_space<semaphore_mem>>)
    %dma_start3A_9 = arith.constant 1 : i32
    %dma_start3A_10 = arith.constant 0 : i32
    %dma_start3A_11 = tpu.memref_slice %arg5[%dma_start3A_9, %dma_start3A_10] : memref<64x8xi32, #tpu.memory_space<vmem>> -> memref<1x8xi32, #tpu.memory_space<vmem>>
    %dma_start3A_12 = tpu.memref_squeeze %dma_start3A_11 : memref<1x8xi32, #tpu.memory_space<vmem>> -> memref<8xi32, #tpu.memory_space<vmem>>
    %dma_start3A_13 = arith.constant 0 : i32
    %dma_start3A_14 = arith.constant 0 : i32
    %dma_start3A_15 = tpu.memref_slice %arg2[%dma_start3A_13, %dma_start3A_14] : memref<100000x1024xf32, #tpu.memory_space<hbm>> -> memref<100000x1024xf32, #tpu.memory_space<hbm>>
    tpu.enqueue_indirect_dma source(%dma_start3A_15 : memref<100000x1024xf32, #tpu.memory_space<hbm>>) target(%arg7 : memref<8x1024xf32, #tpu.memory_space<vmem>>) offsets(%dma_start3A_12 : memref<8xi32, #tpu.memory_space<vmem>>) semaphore(%arg15 : memref<!tpu.dma_semaphore, #tpu.memory_space<semaphore_mem>>)
    %dma_start3A_16 = arith.constant 2 : i32
    %dma_start3A_17 = arith.constant 0 : i32
    %dma_start3A_18 = tpu.memref_slice %arg5[%dma_start3A_16, %dma_start3A_17] : memref<64x8xi32, #tpu.memory_space<vmem>> -> memref<1x8xi32, #tpu.memory_space<vmem>>
    %dma_start3A_19 = tpu.memref_squeeze %dma_start3A_18 : memref<1x8xi32, #tpu.memory_space<vmem>> -> memref<8xi32, #tpu.memory_space<vmem>>
    %dma_start3A_20 = arith.constant 0 : i32
    %dma_start3A_21 = arith.constant 0 : i32
    %dma_start3A_22 = tpu.memref_slice %arg2[%dma_start3A_20, %dma_start3A_21] : memref<100000x1024xf32, #tpu.memory_space<hbm>> -> memref<100000x1024xf32, #tpu.memory_space<hbm>>
    tpu.enqueue_indirect_dma source(%dma_start3A_22 : memref<100000x1024xf32, #tpu.memory_space<hbm>>) target(%arg8 : memref<8x1024xf32, #tpu.memory_space<vmem>>) offsets(%dma_start3A_19 : memref<8xi32, #tpu.memory_space<vmem>>) semaphore(%arg16 : memref<!tpu.dma_semaphore, #tpu.memory_space<semaphore_mem>>)
    %dma_start3A_23 = arith.constant 3 : i32
    %dma_start3A_24 = arith.constant 0 : i32
    %dma_start3A_25 = tpu.memref_slice %arg5[%dma_start3A_23, %dma_start3A_24] : memref<64x8xi32, #tpu.memory_space<vmem>> -> memref<1x8xi32, #tpu.memory_space<vmem>>
    %dma_start3A_26 = tpu.memref_squeeze %dma_start3A_25 : memref<1x8xi32, #tpu.memory_space<vmem>> -> memref<8xi32, #tpu.memory_space<vmem>>
    %dma_start3A_27 = arith.constant 0 : i32
    %dma_start3A_28 = arith.constant 0 : i32
    %dma_start3A_29 = tpu.memref_slice %arg2[%dma_start3A_27, %dma_start3A_28] : memref<100000x1024xf32, #tpu.memory_space<hbm>> -> memref<100000x1024xf32, #tpu.memory_space<hbm>>
    tpu.enqueue_indirect_dma source(%dma_start3A_29 : memref<100000x1024xf32, #tpu.memory_space<hbm>>) target(%arg9 : memref<8x1024xf32, #tpu.memory_space<vmem>>) offsets(%dma_start3A_26 : memref<8xi32, #tpu.memory_space<vmem>>) semaphore(%arg17 : memref<!tpu.dma_semaphore, #tpu.memory_space<semaphore_mem>>)
    %dma_start3A_30 = arith.constant 4 : i32
    %dma_start3A_31 = arith.constant 0 : i32
    %dma_start3A_32 = tpu.memref_slice %arg5[%dma_start3A_30, %dma_start3A_31] : memref<64x8xi32, #tpu.memory_space<vmem>> -> memref<1x8xi32, #tpu.memory_space<vmem>>
    %dma_start3A_33 = tpu.memref_squeeze %dma_start3A_32 : memref<1x8xi32, #tpu.memory_space<vmem>> -> memref<8xi32, #tpu.memory_space<vmem>>
    %dma_start3A_34 = arith.constant 0 : i32
    %dma_start3A_35 = arith.constant 0 : i32
    %dma_start3A_36 = tpu.memref_slice %arg2[%dma_start3A_34, %dma_start3A_35] : memref<100000x1024xf32, #tpu.memory_space<hbm>> -> memref<100000x1024xf32, #tpu.memory_space<hbm>>
    tpu.enqueue_indirect_dma source(%dma_start3A_36 : memref<100000x1024xf32, #tpu.memory_space<hbm>>) target(%arg10 : memref<8x1024xf32, #tpu.memory_space<vmem>>) offsets(%dma_start3A_33 : memref<8xi32, #tpu.memory_space<vmem>>) semaphore(%arg18 : memref<!tpu.dma_semaphore, #tpu.memory_space<semaphore_mem>>)
    %dma_start3A_37 = arith.constant 5 : i32
    %dma_start3A_38 = arith.constant 0 : i32
    %dma_start3A_39 = tpu.memref_slice %arg5[%dma_start3A_37, %dma_start3A_38] : memref<64x8xi32, #tpu.memory_space<vmem>> -> memref<1x8xi32, #tpu.memory_space<vmem>>
    %dma_start3A_40 = tpu.memref_squeeze %dma_start3A_39 : memref<1x8xi32, #tpu.memory_space<vmem>> -> memref<8xi32, #tpu.memory_space<vmem>>
    %dma_start3A_41 = arith.constant 0 : i32
    %dma_start3A_42 = arith.constant 0 : i32
    %dma_start3A_43 = tpu.memref_slice %arg2[%dma_start3A_41, %dma_start3A_42] : memref<100000x1024xf32, #tpu.memory_space<hbm>> -> memref<100000x1024xf32, #tpu.memory_space<hbm>>
    tpu.enqueue_indirect_dma source(%dma_start3A_43 : memref<100000x1024xf32, #tpu.memory_space<hbm>>) target(%arg11 : memref<8x1024xf32, #tpu.memory_space<vmem>>) offsets(%dma_start3A_40 : memref<8xi32, #tpu.memory_space<vmem>>) semaphore(%arg19 : memref<!tpu.dma_semaphore, #tpu.memory_space<semaphore_mem>>)
    %dma_start3A_44 = arith.constant 6 : i32
    %dma_start3A_45 = arith.constant 0 : i32
    %dma_start3A_46 = tpu.memref_slice %arg5[%dma_start3A_44, %dma_start3A_45] : memref<64x8xi32, #tpu.memory_space<vmem>> -> memref<1x8xi32, #tpu.memory_space<vmem>>
    %dma_start3A_47 = tpu.memref_squeeze %dma_start3A_46 : memref<1x8xi32, #tpu.memory_space<vmem>> -> memref<8xi32, #tpu.memory_space<vmem>>
    %dma_start3A_48 = arith.constant 0 : i32
    %dma_start3A_49 = arith.constant 0 : i32
    %dma_start3A_50 = tpu.memref_slice %arg2[%dma_start3A_48, %dma_start3A_49] : memref<100000x1024xf32, #tpu.memory_space<hbm>> -> memref<100000x1024xf32, #tpu.memory_space<hbm>>
    tpu.enqueue_indirect_dma source(%dma_start3A_50 : memref<100000x1024xf32, #tpu.memory_space<hbm>>) target(%arg12 : memref<8x1024xf32, #tpu.memory_space<vmem>>) offsets(%dma_start3A_47 : memref<8xi32, #tpu.memory_space<vmem>>) semaphore(%arg20 : memref<!tpu.dma_semaphore, #tpu.memory_space<semaphore_mem>>)
    %dma_start3A_51 = arith.constant 7 : i32
    %dma_start3A_52 = arith.constant 0 : i32
    %dma_start3A_53 = tpu.memref_slice %arg5[%dma_start3A_51, %dma_start3A_52] : memref<64x8xi32, #tpu.memory_space<vmem>> -> memref<1x8xi32, #tpu.memory_space<vmem>>
    %dma_start3A_54 = tpu.memref_squeeze %dma_start3A_53 : memref<1x8xi32, #tpu.memory_space<vmem>> -> memref<8xi32, #tpu.memory_space<vmem>>
    %dma_start3A_55 = arith.constant 0 : i32
    %dma_start3A_56 = arith.constant 0 : i32
    %dma_start3A_57 = tpu.memref_slice %arg2[%dma_start3A_55, %dma_start3A_56] : memref<100000x1024xf32, #tpu.memory_space<hbm>> -> memref<100000x1024xf32, #tpu.memory_space<hbm>>
    tpu.enqueue_indirect_dma source(%dma_start3A_57 : memref<100000x1024xf32, #tpu.memory_space<hbm>>) target(%arg13 : memref<8x1024xf32, #tpu.memory_space<vmem>>) offsets(%dma_start3A_54 : memref<8xi32, #tpu.memory_space<vmem>>) semaphore(%arg21 : memref<!tpu.dma_semaphore, #tpu.memory_space<semaphore_mem>>)
    %scan3A = arith.constant 0 : i32
    %scan3A_58 = arith.constant 0 : i32
    %scan3A_59 = arith.constant 7 : i32
    %scan3A_60 = arith.addi %scan3A_58, %scan3A_59 : i32
    %scan3A_61 = arith.constant 1 : i32
    scf.for %scan3A_134 = %scan3A_58 to %scan3A_60 step %scan3A_61  : i32 {
      %mul3A_135 = arith.constant 8 : i32
      %mul3A_136 = arith.muli %mul3A_135, %scan3A_134 : i32
      %add3A_137 = arith.constant 0 : i32
      %add3A_138 = arith.addi %mul3A_136, %add3A_137 : i32
      %dma_wait3A_139 = arith.constant 0 : i32
      %dma_wait3A_140 = tpu.memref_slice %arg5[%add3A_138, %dma_wait3A_139] : memref<64x8xi32, #tpu.memory_space<vmem>> -> memref<1x8xi32, #tpu.memory_space<vmem>>
      %dma_wait3A_141 = tpu.memref_squeeze %dma_wait3A_140 : memref<1x8xi32, #tpu.memory_space<vmem>> -> memref<8xi32, #tpu.memory_space<vmem>>
      %dma_wait3A_142 = arith.constant 0 : i32
      %dma_wait3A_143 = arith.constant 0 : i32
      %dma_wait3A_144 = tpu.memref_slice %arg2[%dma_wait3A_142, %dma_wait3A_143] : memref<100000x1024xf32, #tpu.memory_space<hbm>> -> memref<100000x1024xf32, #tpu.memory_space<hbm>>
      tpu.wait_indirect_dma semaphore(%arg14 : memref<!tpu.dma_semaphore, #tpu.memory_space<semaphore_mem>>) src(%dma_wait3A_144 : memref<100000x1024xf32, #tpu.memory_space<hbm>>) dst(%arg6 : memref<8x1024xf32, #tpu.memory_space<vmem>>)
      %mul3A_145 = arith.constant 8 : i32
      %mul3A_146 = arith.muli %add3A_138, %mul3A_145 : i32
      %add3A_147 = arith.addi %mul3A_2, %mul3A_146 : i32
      "tpu.region"() ({
        %run_scoped3A = tpu.sem_alloc : memref<!tpu.dma_semaphore, #tpu.memory_space<semaphore_mem>>
        %dma_start3A_303 = arith.constant 0 : i32
        %dma_start3A_304 = tpu.memref_slice %arg4[%add3A_147, %dma_start3A_303] : memref<16384x1024xf32, #tpu.memory_space<hbm>> -> memref<8x1024xf32, #tpu.memory_space<hbm>>
        %dma_start3A_305 = arith.constant 0 : i32
        %dma_start3A_306 = tpu.memref_slice %arg4[%add3A_147, %dma_start3A_305] : memref<16384x1024xf32, #tpu.memory_space<hbm>> -> memref<8x1024xf32, #tpu.memory_space<hbm>>
        tpu.enqueue_dma source(%arg6 : memref<8x1024xf32, #tpu.memory_space<vmem>>) target(%dma_start3A_306 : memref<8x1024xf32, #tpu.memory_space<hbm>>) target_semaphore(%run_scoped3A : memref<!tpu.dma_semaphore, #tpu.memory_space<semaphore_mem>>)
        %dma_wait3A_307 = arith.constant 0 : i32
        %dma_wait3A_308 = tpu.memref_slice %arg4[%add3A_147, %dma_wait3A_307] : memref<16384x1024xf32, #tpu.memory_space<hbm>> -> memref<8x1024xf32, #tpu.memory_space<hbm>>
        %dma_wait3A_309 = arith.constant 0 : i32
        %dma_wait3A_310 = tpu.memref_slice %arg4[%add3A_147, %dma_wait3A_309] : memref<16384x1024xf32, #tpu.memory_space<hbm>> -> memref<8x1024xf32, #tpu.memory_space<hbm>>
        tpu.wait_dma2 semaphore(%run_scoped3A : memref<!tpu.dma_semaphore, #tpu.memory_space<semaphore_mem>>) src(%arg6 : memref<8x1024xf32, #tpu.memory_space<vmem>>) dst(%dma_wait3A_310 : memref<8x1024xf32, #tpu.memory_space<hbm>>)
        tpu.yield
      }) : () -> ()
      %add3A_148 = arith.constant 8 : i32
      %add3A_149 = arith.addi %add3A_138, %add3A_148 : i32
      %dma_start3A_150 = arith.constant 0 : i32
      %dma_start3A_151 = tpu.memref_slice %arg5[%add3A_149, %dma_start3A_150] : memref<64x8xi32, #tpu.memory_space<vmem>> -> memref<1x8xi32, #tpu.memory_space<vmem>>
      %dma_start3A_152 = tpu.memref_squeeze %dma_start3A_151 : memref<1x8xi32, #tpu.memory_space<vmem>> -> memref<8xi32, #tpu.memory_space<vmem>>
      %dma_start3A_153 = arith.constant 0 : i32
      %dma_start3A_154 = arith.constant 0 : i32
      %dma_start3A_155 = tpu.memref_slice %arg2[%dma_start3A_153, %dma_start3A_154] : memref<100000x1024xf32, #tpu.memory_space<hbm>> -> memref<100000x1024xf32, #tpu.memory_space<hbm>>
      tpu.enqueue_indirect_dma source(%dma_start3A_155 : memref<100000x1024xf32, #tpu.memory_space<hbm>>) target(%arg6 : memref<8x1024xf32, #tpu.memory_space<vmem>>) offsets(%dma_start3A_152 : memref<8xi32, #tpu.memory_space<vmem>>) semaphore(%arg14 : memref<!tpu.dma_semaphore, #tpu.memory_space<semaphore_mem>>)
      %mul3A_156 = arith.constant 8 : i32
      %mul3A_157 = arith.muli %mul3A_156, %scan3A_134 : i32
      %add3A_158 = arith.constant 1 : i32
      %add3A_159 = arith.addi %mul3A_157, %add3A_158 : i32
      %dma_wait3A_160 = arith.constant 0 : i32
      %dma_wait3A_161 = tpu.memref_slice %arg5[%add3A_159, %dma_wait3A_160] : memref<64x8xi32, #tpu.memory_space<vmem>> -> memref<1x8xi32, #tpu.memory_space<vmem>>
      %dma_wait3A_162 = tpu.memref_squeeze %dma_wait3A_161 : memref<1x8xi32, #tpu.memory_space<vmem>> -> memref<8xi32, #tpu.memory_space<vmem>>
      %dma_wait3A_163 = arith.constant 0 : i32
      %dma_wait3A_164 = arith.constant 0 : i32
      %dma_wait3A_165 = tpu.memref_slice %arg2[%dma_wait3A_163, %dma_wait3A_164] : memref<100000x1024xf32, #tpu.memory_space<hbm>> -> memref<100000x1024xf32, #tpu.memory_space<hbm>>
      tpu.wait_indirect_dma semaphore(%arg15 : memref<!tpu.dma_semaphore, #tpu.memory_space<semaphore_mem>>) src(%dma_wait3A_165 : memref<100000x1024xf32, #tpu.memory_space<hbm>>) dst(%arg7 : memref<8x1024xf32, #tpu.memory_space<vmem>>)
      %mul3A_166 = arith.constant 8 : i32
      %mul3A_167 = arith.muli %add3A_159, %mul3A_166 : i32
      %add3A_168 = arith.addi %mul3A_2, %mul3A_167 : i32
      "tpu.region"() ({
        %run_scoped3A = tpu.sem_alloc : memref<!tpu.dma_semaphore, #tpu.memory_space<semaphore_mem>>
        %dma_start3A_303 = arith.constant 0 : i32
        %dma_start3A_304 = tpu.memref_slice %arg4[%add3A_168, %dma_start3A_303] : memref<16384x1024xf32, #tpu.memory_space<hbm>> -> memref<8x1024xf32, #tpu.memory_space<hbm>>
        %dma_start3A_305 = arith.constant 0 : i32
        %dma_start3A_306 = tpu.memref_slice %arg4[%add3A_168, %dma_start3A_305] : memref<16384x1024xf32, #tpu.memory_space<hbm>> -> memref<8x1024xf32, #tpu.memory_space<hbm>>
        tpu.enqueue_dma source(%arg7 : memref<8x1024xf32, #tpu.memory_space<vmem>>) target(%dma_start3A_306 : memref<8x1024xf32, #tpu.memory_space<hbm>>) target_semaphore(%run_scoped3A : memref<!tpu.dma_semaphore, #tpu.memory_space<semaphore_mem>>)
        %dma_wait3A_307 = arith.constant 0 : i32
        %dma_wait3A_308 = tpu.memref_slice %arg4[%add3A_168, %dma_wait3A_307] : memref<16384x1024xf32, #tpu.memory_space<hbm>> -> memref<8x1024xf32, #tpu.memory_space<hbm>>
        %dma_wait3A_309 = arith.constant 0 : i32
        %dma_wait3A_310 = tpu.memref_slice %arg4[%add3A_168, %dma_wait3A_309] : memref<16384x1024xf32, #tpu.memory_space<hbm>> -> memref<8x1024xf32, #tpu.memory_space<hbm>>
        tpu.wait_dma2 semaphore(%run_scoped3A : memref<!tpu.dma_semaphore, #tpu.memory_space<semaphore_mem>>) src(%arg7 : memref<8x1024xf32, #tpu.memory_space<vmem>>) dst(%dma_wait3A_310 : memref<8x1024xf32, #tpu.memory_space<hbm>>)
        tpu.yield
      }) : () -> ()
      %add3A_169 = arith.constant 8 : i32
      %add3A_170 = arith.addi %add3A_159, %add3A_169 : i32
      %dma_start3A_171 = arith.constant 0 : i32
      %dma_start3A_172 = tpu.memref_slice %arg5[%add3A_170, %dma_start3A_171] : memref<64x8xi32, #tpu.memory_space<vmem>> -> memref<1x8xi32, #tpu.memory_space<vmem>>
      %dma_start3A_173 = tpu.memref_squeeze %dma_start3A_172 : memref<1x8xi32, #tpu.memory_space<vmem>> -> memref<8xi32, #tpu.memory_space<vmem>>
      %dma_start3A_174 = arith.constant 0 : i32
      %dma_start3A_175 = arith.constant 0 : i32
      %dma_start3A_176 = tpu.memref_slice %arg2[%dma_start3A_174, %dma_start3A_175] : memref<100000x1024xf32, #tpu.memory_space<hbm>> -> memref<100000x1024xf32, #tpu.memory_space<hbm>>
      tpu.enqueue_indirect_dma source(%dma_start3A_176 : memref<100000x1024xf32, #tpu.memory_space<hbm>>) target(%arg7 : memref<8x1024xf32, #tpu.memory_space<vmem>>) offsets(%dma_start3A_173 : memref<8xi32, #tpu.memory_space<vmem>>) semaphore(%arg15 : memref<!tpu.dma_semaphore, #tpu.memory_space<semaphore_mem>>)
      %mul3A_177 = arith.constant 8 : i32
      %mul3A_178 = arith.muli %mul3A_177, %scan3A_134 : i32
      %add3A_179 = arith.constant 2 : i32
      %add3A_180 = arith.addi %mul3A_178, %add3A_179 : i32
      %dma_wait3A_181 = arith.constant 0 : i32
      %dma_wait3A_182 = tpu.memref_slice %arg5[%add3A_180, %dma_wait3A_181] : memref<64x8xi32, #tpu.memory_space<vmem>> -> memref<1x8xi32, #tpu.memory_space<vmem>>
      %dma_wait3A_183 = tpu.memref_squeeze %dma_wait3A_182 : memref<1x8xi32, #tpu.memory_space<vmem>> -> memref<8xi32, #tpu.memory_space<vmem>>
      %dma_wait3A_184 = arith.constant 0 : i32
      %dma_wait3A_185 = arith.constant 0 : i32
      %dma_wait3A_186 = tpu.memref_slice %arg2[%dma_wait3A_184, %dma_wait3A_185] : memref<100000x1024xf32, #tpu.memory_space<hbm>> -> memref<100000x1024xf32, #tpu.memory_space<hbm>>
      tpu.wait_indirect_dma semaphore(%arg16 : memref<!tpu.dma_semaphore, #tpu.memory_space<semaphore_mem>>) src(%dma_wait3A_186 : memref<100000x1024xf32, #tpu.memory_space<hbm>>) dst(%arg8 : memref<8x1024xf32, #tpu.memory_space<vmem>>)
      %mul3A_187 = arith.constant 8 : i32
      %mul3A_188 = arith.muli %add3A_180, %mul3A_187 : i32
      %add3A_189 = arith.addi %mul3A_2, %mul3A_188 : i32
      "tpu.region"() ({
        %run_scoped3A = tpu.sem_alloc : memref<!tpu.dma_semaphore, #tpu.memory_space<semaphore_mem>>
        %dma_start3A_303 = arith.constant 0 : i32
        %dma_start3A_304 = tpu.memref_slice %arg4[%add3A_189, %dma_start3A_303] : memref<16384x1024xf32, #tpu.memory_space<hbm>> -> memref<8x1024xf32, #tpu.memory_space<hbm>>
        %dma_start3A_305 = arith.constant 0 : i32
        %dma_start3A_306 = tpu.memref_slice %arg4[%add3A_189, %dma_start3A_305] : memref<16384x1024xf32, #tpu.memory_space<hbm>> -> memref<8x1024xf32, #tpu.memory_space<hbm>>
        tpu.enqueue_dma source(%arg8 : memref<8x1024xf32, #tpu.memory_space<vmem>>) target(%dma_start3A_306 : memref<8x1024xf32, #tpu.memory_space<hbm>>) target_semaphore(%run_scoped3A : memref<!tpu.dma_semaphore, #tpu.memory_space<semaphore_mem>>)
        %dma_wait3A_307 = arith.constant 0 : i32
        %dma_wait3A_308 = tpu.memref_slice %arg4[%add3A_189, %dma_wait3A_307] : memref<16384x1024xf32, #tpu.memory_space<hbm>> -> memref<8x1024xf32, #tpu.memory_space<hbm>>
        %dma_wait3A_309 = arith.constant 0 : i32
        %dma_wait3A_310 = tpu.memref_slice %arg4[%add3A_189, %dma_wait3A_309] : memref<16384x1024xf32, #tpu.memory_space<hbm>> -> memref<8x1024xf32, #tpu.memory_space<hbm>>
        tpu.wait_dma2 semaphore(%run_scoped3A : memref<!tpu.dma_semaphore, #tpu.memory_space<semaphore_mem>>) src(%arg8 : memref<8x1024xf32, #tpu.memory_space<vmem>>) dst(%dma_wait3A_310 : memref<8x1024xf32, #tpu.memory_space<hbm>>)
        tpu.yield
      }) : () -> ()
      %add3A_190 = arith.constant 8 : i32
      %add3A_191 = arith.addi %add3A_180, %add3A_190 : i32
      %dma_start3A_192 = arith.constant 0 : i32
      %dma_start3A_193 = tpu.memref_slice %arg5[%add3A_191, %dma_start3A_192] : memref<64x8xi32, #tpu.memory_space<vmem>> -> memref<1x8xi32, #tpu.memory_space<vmem>>
      %dma_start3A_194 = tpu.memref_squeeze %dma_start3A_193 : memref<1x8xi32, #tpu.memory_space<vmem>> -> memref<8xi32, #tpu.memory_space<vmem>>
      %dma_start3A_195 = arith.constant 0 : i32
      %dma_start3A_196 = arith.constant 0 : i32
      %dma_start3A_197 = tpu.memref_slice %arg2[%dma_start3A_195, %dma_start3A_196] : memref<100000x1024xf32, #tpu.memory_space<hbm>> -> memref<100000x1024xf32, #tpu.memory_space<hbm>>
      tpu.enqueue_indirect_dma source(%dma_start3A_197 : memref<100000x1024xf32, #tpu.memory_space<hbm>>) target(%arg8 : memref<8x1024xf32, #tpu.memory_space<vmem>>) offsets(%dma_start3A_194 : memref<8xi32, #tpu.memory_space<vmem>>) semaphore(%arg16 : memref<!tpu.dma_semaphore, #tpu.memory_space<semaphore_mem>>)
      %mul3A_198 = arith.constant 8 : i32
      %mul3A_199 = arith.muli %mul3A_198, %scan3A_134 : i32
      %add3A_200 = arith.constant 3 : i32
      %add3A_201 = arith.addi %mul3A_199, %add3A_200 : i32
      %dma_wait3A_202 = arith.constant 0 : i32
      %dma_wait3A_203 = tpu.memref_slice %arg5[%add3A_201, %dma_wait3A_202] : memref<64x8xi32, #tpu.memory_space<vmem>> -> memref<1x8xi32, #tpu.memory_space<vmem>>
      %dma_wait3A_204 = tpu.memref_squeeze %dma_wait3A_203 : memref<1x8xi32, #tpu.memory_space<vmem>> -> memref<8xi32, #tpu.memory_space<vmem>>
      %dma_wait3A_205 = arith.constant 0 : i32
      %dma_wait3A_206 = arith.constant 0 : i32
      %dma_wait3A_207 = tpu.memref_slice %arg2[%dma_wait3A_205, %dma_wait3A_206] : memref<100000x1024xf32, #tpu.memory_space<hbm>> -> memref<100000x1024xf32, #tpu.memory_space<hbm>>
      tpu.wait_indirect_dma semaphore(%arg17 : memref<!tpu.dma_semaphore, #tpu.memory_space<semaphore_mem>>) src(%dma_wait3A_207 : memref<100000x1024xf32, #tpu.memory_space<hbm>>) dst(%arg9 : memref<8x1024xf32, #tpu.memory_space<vmem>>)
      %mul3A_208 = arith.constant 8 : i32
      %mul3A_209 = arith.muli %add3A_201, %mul3A_208 : i32
      %add3A_210 = arith.addi %mul3A_2, %mul3A_209 : i32
      "tpu.region"() ({
        %run_scoped3A = tpu.sem_alloc : memref<!tpu.dma_semaphore, #tpu.memory_space<semaphore_mem>>
        %dma_start3A_303 = arith.constant 0 : i32
        %dma_start3A_304 = tpu.memref_slice %arg4[%add3A_210, %dma_start3A_303] : memref<16384x1024xf32, #tpu.memory_space<hbm>> -> memref<8x1024xf32, #tpu.memory_space<hbm>>
        %dma_start3A_305 = arith.constant 0 : i32
        %dma_start3A_306 = tpu.memref_slice %arg4[%add3A_210, %dma_start3A_305] : memref<16384x1024xf32, #tpu.memory_space<hbm>> -> memref<8x1024xf32, #tpu.memory_space<hbm>>
        tpu.enqueue_dma source(%arg9 : memref<8x1024xf32, #tpu.memory_space<vmem>>) target(%dma_start3A_306 : memref<8x1024xf32, #tpu.memory_space<hbm>>) target_semaphore(%run_scoped3A : memref<!tpu.dma_semaphore, #tpu.memory_space<semaphore_mem>>)
        %dma_wait3A_307 = arith.constant 0 : i32
        %dma_wait3A_308 = tpu.memref_slice %arg4[%add3A_210, %dma_wait3A_307] : memref<16384x1024xf32, #tpu.memory_space<hbm>> -> memref<8x1024xf32, #tpu.memory_space<hbm>>
        %dma_wait3A_309 = arith.constant 0 : i32
        %dma_wait3A_310 = tpu.memref_slice %arg4[%add3A_210, %dma_wait3A_309] : memref<16384x1024xf32, #tpu.memory_space<hbm>> -> memref<8x1024xf32, #tpu.memory_space<hbm>>
        tpu.wait_dma2 semaphore(%run_scoped3A : memref<!tpu.dma_semaphore, #tpu.memory_space<semaphore_mem>>) src(%arg9 : memref<8x1024xf32, #tpu.memory_space<vmem>>) dst(%dma_wait3A_310 : memref<8x1024xf32, #tpu.memory_space<hbm>>)
        tpu.yield
      }) : () -> ()
      %add3A_211 = arith.constant 8 : i32
      %add3A_212 = arith.addi %add3A_201, %add3A_211 : i32
      %dma_start3A_213 = arith.constant 0 : i32
      %dma_start3A_214 = tpu.memref_slice %arg5[%add3A_212, %dma_start3A_213] : memref<64x8xi32, #tpu.memory_space<vmem>> -> memref<1x8xi32, #tpu.memory_space<vmem>>
      %dma_start3A_215 = tpu.memref_squeeze %dma_start3A_214 : memref<1x8xi32, #tpu.memory_space<vmem>> -> memref<8xi32, #tpu.memory_space<vmem>>
      %dma_start3A_216 = arith.constant 0 : i32
      %dma_start3A_217 = arith.constant 0 : i32
      %dma_start3A_218 = tpu.memref_slice %arg2[%dma_start3A_216, %dma_start3A_217] : memref<100000x1024xf32, #tpu.memory_space<hbm>> -> memref<100000x1024xf32, #tpu.memory_space<hbm>>
      tpu.enqueue_indirect_dma source(%dma_start3A_218 : memref<100000x1024xf32, #tpu.memory_space<hbm>>) target(%arg9 : memref<8x1024xf32, #tpu.memory_space<vmem>>) offsets(%dma_start3A_215 : memref<8xi32, #tpu.memory_space<vmem>>) semaphore(%arg17 : memref<!tpu.dma_semaphore, #tpu.memory_space<semaphore_mem>>)
      %mul3A_219 = arith.constant 8 : i32
      %mul3A_220 = arith.muli %mul3A_219, %scan3A_134 : i32
      %add3A_221 = arith.constant 4 : i32
      %add3A_222 = arith.addi %mul3A_220, %add3A_221 : i32
      %dma_wait3A_223 = arith.constant 0 : i32
      %dma_wait3A_224 = tpu.memref_slice %arg5[%add3A_222, %dma_wait3A_223] : memref<64x8xi32, #tpu.memory_space<vmem>> -> memref<1x8xi32, #tpu.memory_space<vmem>>
      %dma_wait3A_225 = tpu.memref_squeeze %dma_wait3A_224 : memref<1x8xi32, #tpu.memory_space<vmem>> -> memref<8xi32, #tpu.memory_space<vmem>>
      %dma_wait3A_226 = arith.constant 0 : i32
      %dma_wait3A_227 = arith.constant 0 : i32
      %dma_wait3A_228 = tpu.memref_slice %arg2[%dma_wait3A_226, %dma_wait3A_227] : memref<100000x1024xf32, #tpu.memory_space<hbm>> -> memref<100000x1024xf32, #tpu.memory_space<hbm>>
      tpu.wait_indirect_dma semaphore(%arg18 : memref<!tpu.dma_semaphore, #tpu.memory_space<semaphore_mem>>) src(%dma_wait3A_228 : memref<100000x1024xf32, #tpu.memory_space<hbm>>) dst(%arg10 : memref<8x1024xf32, #tpu.memory_space<vmem>>)
      %mul3A_229 = arith.constant 8 : i32
      %mul3A_230 = arith.muli %add3A_222, %mul3A_229 : i32
      %add3A_231 = arith.addi %mul3A_2, %mul3A_230 : i32
      "tpu.region"() ({
        %run_scoped3A = tpu.sem_alloc : memref<!tpu.dma_semaphore, #tpu.memory_space<semaphore_mem>>
        %dma_start3A_303 = arith.constant 0 : i32
        %dma_start3A_304 = tpu.memref_slice %arg4[%add3A_231, %dma_start3A_303] : memref<16384x1024xf32, #tpu.memory_space<hbm>> -> memref<8x1024xf32, #tpu.memory_space<hbm>>
        %dma_start3A_305 = arith.constant 0 : i32
        %dma_start3A_306 = tpu.memref_slice %arg4[%add3A_231, %dma_start3A_305] : memref<16384x1024xf32, #tpu.memory_space<hbm>> -> memref<8x1024xf32, #tpu.memory_space<hbm>>
        tpu.enqueue_dma source(%arg10 : memref<8x1024xf32, #tpu.memory_space<vmem>>) target(%dma_start3A_306 : memref<8x1024xf32, #tpu.memory_space<hbm>>) target_semaphore(%run_scoped3A : memref<!tpu.dma_semaphore, #tpu.memory_space<semaphore_mem>>)
        %dma_wait3A_307 = arith.constant 0 : i32
        %dma_wait3A_308 = tpu.memref_slice %arg4[%add3A_231, %dma_wait3A_307] : memref<16384x1024xf32, #tpu.memory_space<hbm>> -> memref<8x1024xf32, #tpu.memory_space<hbm>>
        %dma_wait3A_309 = arith.constant 0 : i32
        %dma_wait3A_310 = tpu.memref_slice %arg4[%add3A_231, %dma_wait3A_309] : memref<16384x1024xf32, #tpu.memory_space<hbm>> -> memref<8x1024xf32, #tpu.memory_space<hbm>>
        tpu.wait_dma2 semaphore(%run_scoped3A : memref<!tpu.dma_semaphore, #tpu.memory_space<semaphore_mem>>) src(%arg10 : memref<8x1024xf32, #tpu.memory_space<vmem>>) dst(%dma_wait3A_310 : memref<8x1024xf32, #tpu.memory_space<hbm>>)
        tpu.yield
      }) : () -> ()
      %add3A_232 = arith.constant 8 : i32
      %add3A_233 = arith.addi %add3A_222, %add3A_232 : i32
      %dma_start3A_234 = arith.constant 0 : i32
      %dma_start3A_235 = tpu.memref_slice %arg5[%add3A_233, %dma_start3A_234] : memref<64x8xi32, #tpu.memory_space<vmem>> -> memref<1x8xi32, #tpu.memory_space<vmem>>
      %dma_start3A_236 = tpu.memref_squeeze %dma_start3A_235 : memref<1x8xi32, #tpu.memory_space<vmem>> -> memref<8xi32, #tpu.memory_space<vmem>>
      %dma_start3A_237 = arith.constant 0 : i32
      %dma_start3A_238 = arith.constant 0 : i32
      %dma_start3A_239 = tpu.memref_slice %arg2[%dma_start3A_237, %dma_start3A_238] : memref<100000x1024xf32, #tpu.memory_space<hbm>> -> memref<100000x1024xf32, #tpu.memory_space<hbm>>
      tpu.enqueue_indirect_dma source(%dma_start3A_239 : memref<100000x1024xf32, #tpu.memory_space<hbm>>) target(%arg10 : memref<8x1024xf32, #tpu.memory_space<vmem>>) offsets(%dma_start3A_236 : memref<8xi32, #tpu.memory_space<vmem>>) semaphore(%arg18 : memref<!tpu.dma_semaphore, #tpu.memory_space<semaphore_mem>>)
      %mul3A_240 = arith.constant 8 : i32
      %mul3A_241 = arith.muli %mul3A_240, %scan3A_134 : i32
      %add3A_242 = arith.constant 5 : i32
      %add3A_243 = arith.addi %mul3A_241, %add3A_242 : i32
      %dma_wait3A_244 = arith.constant 0 : i32
      %dma_wait3A_245 = tpu.memref_slice %arg5[%add3A_243, %dma_wait3A_244] : memref<64x8xi32, #tpu.memory_space<vmem>> -> memref<1x8xi32, #tpu.memory_space<vmem>>
      %dma_wait3A_246 = tpu.memref_squeeze %dma_wait3A_245 : memref<1x8xi32, #tpu.memory_space<vmem>> -> memref<8xi32, #tpu.memory_space<vmem>>
      %dma_wait3A_247 = arith.constant 0 : i32
      %dma_wait3A_248 = arith.constant 0 : i32
      %dma_wait3A_249 = tpu.memref_slice %arg2[%dma_wait3A_247, %dma_wait3A_248] : memref<100000x1024xf32, #tpu.memory_space<hbm>> -> memref<100000x1024xf32, #tpu.memory_space<hbm>>
      tpu.wait_indirect_dma semaphore(%arg19 : memref<!tpu.dma_semaphore, #tpu.memory_space<semaphore_mem>>) src(%dma_wait3A_249 : memref<100000x1024xf32, #tpu.memory_space<hbm>>) dst(%arg11 : memref<8x1024xf32, #tpu.memory_space<vmem>>)
      %mul3A_250 = arith.constant 8 : i32
      %mul3A_251 = arith.muli %add3A_243, %mul3A_250 : i32
      %add3A_252 = arith.addi %mul3A_2, %mul3A_251 : i32
      "tpu.region"() ({
        %run_scoped3A = tpu.sem_alloc : memref<!tpu.dma_semaphore, #tpu.memory_space<semaphore_mem>>
        %dma_start3A_303 = arith.constant 0 : i32
        %dma_start3A_304 = tpu.memref_slice %arg4[%add3A_252, %dma_start3A_303] : memref<16384x1024xf32, #tpu.memory_space<hbm>> -> memref<8x1024xf32, #tpu.memory_space<hbm>>
        %dma_start3A_305 = arith.constant 0 : i32
        %dma_start3A_306 = tpu.memref_slice %arg4[%add3A_252, %dma_start3A_305] : memref<16384x1024xf32, #tpu.memory_space<hbm>> -> memref<8x1024xf32, #tpu.memory_space<hbm>>
        tpu.enqueue_dma source(%arg11 : memref<8x1024xf32, #tpu.memory_space<vmem>>) target(%dma_start3A_306 : memref<8x1024xf32, #tpu.memory_space<hbm>>) target_semaphore(%run_scoped3A : memref<!tpu.dma_semaphore, #tpu.memory_space<semaphore_mem>>)
        %dma_wait3A_307 = arith.constant 0 : i32
        %dma_wait3A_308 = tpu.memref_slice %arg4[%add3A_252, %dma_wait3A_307] : memref<16384x1024xf32, #tpu.memory_space<hbm>> -> memref<8x1024xf32, #tpu.memory_space<hbm>>
        %dma_wait3A_309 = arith.constant 0 : i32
        %dma_wait3A_310 = tpu.memref_slice %arg4[%add3A_252, %dma_wait3A_309] : memref<16384x1024xf32, #tpu.memory_space<hbm>> -> memref<8x1024xf32, #tpu.memory_space<hbm>>
        tpu.wait_dma2 semaphore(%run_scoped3A : memref<!tpu.dma_semaphore, #tpu.memory_space<semaphore_mem>>) src(%arg11 : memref<8x1024xf32, #tpu.memory_space<vmem>>) dst(%dma_wait3A_310 : memref<8x1024xf32, #tpu.memory_space<hbm>>)
        tpu.yield
      }) : () -> ()
      %add3A_253 = arith.constant 8 : i32
      %add3A_254 = arith.addi %add3A_243, %add3A_253 : i32
      %dma_start3A_255 = arith.constant 0 : i32
      %dma_start3A_256 = tpu.memref_slice %arg5[%add3A_254, %dma_start3A_255] : memref<64x8xi32, #tpu.memory_space<vmem>> -> memref<1x8xi32, #tpu.memory_space<vmem>>
      %dma_start3A_257 = tpu.memref_squeeze %dma_start3A_256 : memref<1x8xi32, #tpu.memory_space<vmem>> -> memref<8xi32, #tpu.memory_space<vmem>>
      %dma_start3A_258 = arith.constant 0 : i32
      %dma_start3A_259 = arith.constant 0 : i32
      %dma_start3A_260 = tpu.memref_slice %arg2[%dma_start3A_258, %dma_start3A_259] : memref<100000x1024xf32, #tpu.memory_space<hbm>> -> memref<100000x1024xf32, #tpu.memory_space<hbm>>
      tpu.enqueue_indirect_dma source(%dma_start3A_260 : memref<100000x1024xf32, #tpu.memory_space<hbm>>) target(%arg11 : memref<8x1024xf32, #tpu.memory_space<vmem>>) offsets(%dma_start3A_257 : memref<8xi32, #tpu.memory_space<vmem>>) semaphore(%arg19 : memref<!tpu.dma_semaphore, #tpu.memory_space<semaphore_mem>>)
      %mul3A_261 = arith.constant 8 : i32
      %mul3A_262 = arith.muli %mul3A_261, %scan3A_134 : i32
      %add3A_263 = arith.constant 6 : i32
      %add3A_264 = arith.addi %mul3A_262, %add3A_263 : i32
      %dma_wait3A_265 = arith.constant 0 : i32
      %dma_wait3A_266 = tpu.memref_slice %arg5[%add3A_264, %dma_wait3A_265] : memref<64x8xi32, #tpu.memory_space<vmem>> -> memref<1x8xi32, #tpu.memory_space<vmem>>
      %dma_wait3A_267 = tpu.memref_squeeze %dma_wait3A_266 : memref<1x8xi32, #tpu.memory_space<vmem>> -> memref<8xi32, #tpu.memory_space<vmem>>
      %dma_wait3A_268 = arith.constant 0 : i32
      %dma_wait3A_269 = arith.constant 0 : i32
      %dma_wait3A_270 = tpu.memref_slice %arg2[%dma_wait3A_268, %dma_wait3A_269] : memref<100000x1024xf32, #tpu.memory_space<hbm>> -> memref<100000x1024xf32, #tpu.memory_space<hbm>>
      tpu.wait_indirect_dma semaphore(%arg20 : memref<!tpu.dma_semaphore, #tpu.memory_space<semaphore_mem>>) src(%dma_wait3A_270 : memref<100000x1024xf32, #tpu.memory_space<hbm>>) dst(%arg12 : memref<8x1024xf32, #tpu.memory_space<vmem>>)
      %mul3A_271 = arith.constant 8 : i32
      %mul3A_272 = arith.muli %add3A_264, %mul3A_271 : i32
      %add3A_273 = arith.addi %mul3A_2, %mul3A_272 : i32
      "tpu.region"() ({
        %run_scoped3A = tpu.sem_alloc : memref<!tpu.dma_semaphore, #tpu.memory_space<semaphore_mem>>
        %dma_start3A_303 = arith.constant 0 : i32
        %dma_start3A_304 = tpu.memref_slice %arg4[%add3A_273, %dma_start3A_303] : memref<16384x1024xf32, #tpu.memory_space<hbm>> -> memref<8x1024xf32, #tpu.memory_space<hbm>>
        %dma_start3A_305 = arith.constant 0 : i32
        %dma_start3A_306 = tpu.memref_slice %arg4[%add3A_273, %dma_start3A_305] : memref<16384x1024xf32, #tpu.memory_space<hbm>> -> memref<8x1024xf32, #tpu.memory_space<hbm>>
        tpu.enqueue_dma source(%arg12 : memref<8x1024xf32, #tpu.memory_space<vmem>>) target(%dma_start3A_306 : memref<8x1024xf32, #tpu.memory_space<hbm>>) target_semaphore(%run_scoped3A : memref<!tpu.dma_semaphore, #tpu.memory_space<semaphore_mem>>)
        %dma_wait3A_307 = arith.constant 0 : i32
        %dma_wait3A_308 = tpu.memref_slice %arg4[%add3A_273, %dma_wait3A_307] : memref<16384x1024xf32, #tpu.memory_space<hbm>> -> memref<8x1024xf32, #tpu.memory_space<hbm>>
        %dma_wait3A_309 = arith.constant 0 : i32
        %dma_wait3A_310 = tpu.memref_slice %arg4[%add3A_273, %dma_wait3A_309] : memref<16384x1024xf32, #tpu.memory_space<hbm>> -> memref<8x1024xf32, #tpu.memory_space<hbm>>
        tpu.wait_dma2 semaphore(%run_scoped3A : memref<!tpu.dma_semaphore, #tpu.memory_space<semaphore_mem>>) src(%arg12 : memref<8x1024xf32, #tpu.memory_space<vmem>>) dst(%dma_wait3A_310 : memref<8x1024xf32, #tpu.memory_space<hbm>>)
        tpu.yield
      }) : () -> ()
      %add3A_274 = arith.constant 8 : i32
      %add3A_275 = arith.addi %add3A_264, %add3A_274 : i32
      %dma_start3A_276 = arith.constant 0 : i32
      %dma_start3A_277 = tpu.memref_slice %arg5[%add3A_275, %dma_start3A_276] : memref<64x8xi32, #tpu.memory_space<vmem>> -> memref<1x8xi32, #tpu.memory_space<vmem>>
      %dma_start3A_278 = tpu.memref_squeeze %dma_start3A_277 : memref<1x8xi32, #tpu.memory_space<vmem>> -> memref<8xi32, #tpu.memory_space<vmem>>
      %dma_start3A_279 = arith.constant 0 : i32
      %dma_start3A_280 = arith.constant 0 : i32
      %dma_start3A_281 = tpu.memref_slice %arg2[%dma_start3A_279, %dma_start3A_280] : memref<100000x1024xf32, #tpu.memory_space<hbm>> -> memref<100000x1024xf32, #tpu.memory_space<hbm>>
      tpu.enqueue_indirect_dma source(%dma_start3A_281 : memref<100000x1024xf32, #tpu.memory_space<hbm>>) target(%arg12 : memref<8x1024xf32, #tpu.memory_space<vmem>>) offsets(%dma_start3A_278 : memref<8xi32, #tpu.memory_space<vmem>>) semaphore(%arg20 : memref<!tpu.dma_semaphore, #tpu.memory_space<semaphore_mem>>)
      %mul3A_282 = arith.constant 8 : i32
      %mul3A_283 = arith.muli %mul3A_282, %scan3A_134 : i32
      %add3A_284 = arith.constant 7 : i32
      %add3A_285 = arith.addi %mul3A_283, %add3A_284 : i32
      %dma_wait3A_286 = arith.constant 0 : i32
      %dma_wait3A_287 = tpu.memref_slice %arg5[%add3A_285, %dma_wait3A_286] : memref<64x8xi32, #tpu.memory_space<vmem>> -> memref<1x8xi32, #tpu.memory_space<vmem>>
      %dma_wait3A_288 = tpu.memref_squeeze %dma_wait3A_287 : memref<1x8xi32, #tpu.memory_space<vmem>> -> memref<8xi32, #tpu.memory_space<vmem>>
      %dma_wait3A_289 = arith.constant 0 : i32
      %dma_wait3A_290 = arith.constant 0 : i32
      %dma_wait3A_291 = tpu.memref_slice %arg2[%dma_wait3A_289, %dma_wait3A_290] : memref<100000x1024xf32, #tpu.memory_space<hbm>> -> memref<100000x1024xf32, #tpu.memory_space<hbm>>
      tpu.wait_indirect_dma semaphore(%arg21 : memref<!tpu.dma_semaphore, #tpu.memory_space<semaphore_mem>>) src(%dma_wait3A_291 : memref<100000x1024xf32, #tpu.memory_space<hbm>>) dst(%arg13 : memref<8x1024xf32, #tpu.memory_space<vmem>>)
      %mul3A_292 = arith.constant 8 : i32
      %mul3A_293 = arith.muli %add3A_285, %mul3A_292 : i32
      %add3A_294 = arith.addi %mul3A_2, %mul3A_293 : i32
      "tpu.region"() ({
        %run_scoped3A = tpu.sem_alloc : memref<!tpu.dma_semaphore, #tpu.memory_space<semaphore_mem>>
        %dma_start3A_303 = arith.constant 0 : i32
        %dma_start3A_304 = tpu.memref_slice %arg4[%add3A_294, %dma_start3A_303] : memref<16384x1024xf32, #tpu.memory_space<hbm>> -> memref<8x1024xf32, #tpu.memory_space<hbm>>
        %dma_start3A_305 = arith.constant 0 : i32
        %dma_start3A_306 = tpu.memref_slice %arg4[%add3A_294, %dma_start3A_305] : memref<16384x1024xf32, #tpu.memory_space<hbm>> -> memref<8x1024xf32, #tpu.memory_space<hbm>>
        tpu.enqueue_dma source(%arg13 : memref<8x1024xf32, #tpu.memory_space<vmem>>) target(%dma_start3A_306 : memref<8x1024xf32, #tpu.memory_space<hbm>>) target_semaphore(%run_scoped3A : memref<!tpu.dma_semaphore, #tpu.memory_space<semaphore_mem>>)
        %dma_wait3A_307 = arith.constant 0 : i32
        %dma_wait3A_308 = tpu.memref_slice %arg4[%add3A_294, %dma_wait3A_307] : memref<16384x1024xf32, #tpu.memory_space<hbm>> -> memref<8x1024xf32, #tpu.memory_space<hbm>>
        %dma_wait3A_309 = arith.constant 0 : i32
        %dma_wait3A_310 = tpu.memref_slice %arg4[%add3A_294, %dma_wait3A_309] : memref<16384x1024xf32, #tpu.memory_space<hbm>> -> memref<8x1024xf32, #tpu.memory_space<hbm>>
        tpu.wait_dma2 semaphore(%run_scoped3A : memref<!tpu.dma_semaphore, #tpu.memory_space<semaphore_mem>>) src(%arg13 : memref<8x1024xf32, #tpu.memory_space<vmem>>) dst(%dma_wait3A_310 : memref<8x1024xf32, #tpu.memory_space<hbm>>)
        tpu.yield
      }) : () -> ()
      %add3A_295 = arith.constant 8 : i32
      %add3A_296 = arith.addi %add3A_285, %add3A_295 : i32
      %dma_start3A_297 = arith.constant 0 : i32
      %dma_start3A_298 = tpu.memref_slice %arg5[%add3A_296, %dma_start3A_297] : memref<64x8xi32, #tpu.memory_space<vmem>> -> memref<1x8xi32, #tpu.memory_space<vmem>>
      %dma_start3A_299 = tpu.memref_squeeze %dma_start3A_298 : memref<1x8xi32, #tpu.memory_space<vmem>> -> memref<8xi32, #tpu.memory_space<vmem>>
      %dma_start3A_300 = arith.constant 0 : i32
      %dma_start3A_301 = arith.constant 0 : i32
      %dma_start3A_302 = tpu.memref_slice %arg2[%dma_start3A_300, %dma_start3A_301] : memref<100000x1024xf32, #tpu.memory_space<hbm>> -> memref<100000x1024xf32, #tpu.memory_space<hbm>>
      tpu.enqueue_indirect_dma source(%dma_start3A_302 : memref<100000x1024xf32, #tpu.memory_space<hbm>>) target(%arg13 : memref<8x1024xf32, #tpu.memory_space<vmem>>) offsets(%dma_start3A_299 : memref<8xi32, #tpu.memory_space<vmem>>) semaphore(%arg21 : memref<!tpu.dma_semaphore, #tpu.memory_space<semaphore_mem>>)
    }
    %scan3A_62 = arith.constant 7 : i32
    %dma_wait3A = arith.constant 56 : i32
    %dma_wait3A_63 = arith.constant 0 : i32
    %dma_wait3A_64 = tpu.memref_slice %arg5[%dma_wait3A, %dma_wait3A_63] : memref<64x8xi32, #tpu.memory_space<vmem>> -> memref<1x8xi32, #tpu.memory_space<vmem>>
    %dma_wait3A_65 = tpu.memref_squeeze %dma_wait3A_64 : memref<1x8xi32, #tpu.memory_space<vmem>> -> memref<8xi32, #tpu.memory_space<vmem>>
    %dma_wait3A_66 = arith.constant 0 : i32
    %dma_wait3A_67 = arith.constant 0 : i32
    %dma_wait3A_68 = tpu.memref_slice %arg2[%dma_wait3A_66, %dma_wait3A_67] : memref<100000x1024xf32, #tpu.memory_space<hbm>> -> memref<100000x1024xf32, #tpu.memory_space<hbm>>
    tpu.wait_indirect_dma semaphore(%arg14 : memref<!tpu.dma_semaphore, #tpu.memory_space<semaphore_mem>>) src(%dma_wait3A_68 : memref<100000x1024xf32, #tpu.memory_space<hbm>>) dst(%arg6 : memref<8x1024xf32, #tpu.memory_space<vmem>>)
    %add3A_69 = arith.constant 448 : i32
    %add3A_70 = arith.addi %mul3A_2, %add3A_69 : i32
    "tpu.region"() ({
      %run_scoped3A = tpu.sem_alloc : memref<!tpu.dma_semaphore, #tpu.memory_space<semaphore_mem>>
      %dma_start3A_134 = arith.constant 0 : i32
      %dma_start3A_135 = tpu.memref_slice %arg4[%add3A_70, %dma_start3A_134] : memref<16384x1024xf32, #tpu.memory_space<hbm>> -> memref<8x1024xf32, #tpu.memory_space<hbm>>
      %dma_start3A_136 = arith.constant 0 : i32
      %dma_start3A_137 = tpu.memref_slice %arg4[%add3A_70, %dma_start3A_136] : memref<16384x1024xf32, #tpu.memory_space<hbm>> -> memref<8x1024xf32, #tpu.memory_space<hbm>>
      tpu.enqueue_dma source(%arg6 : memref<8x1024xf32, #tpu.memory_space<vmem>>) target(%dma_start3A_137 : memref<8x1024xf32, #tpu.memory_space<hbm>>) target_semaphore(%run_scoped3A : memref<!tpu.dma_semaphore, #tpu.memory_space<semaphore_mem>>)
      %dma_wait3A_138 = arith.constant 0 : i32
      %dma_wait3A_139 = tpu.memref_slice %arg4[%add3A_70, %dma_wait3A_138] : memref<16384x1024xf32, #tpu.memory_space<hbm>> -> memref<8x1024xf32, #tpu.memory_space<hbm>>
      %dma_wait3A_140 = arith.constant 0 : i32
      %dma_wait3A_141 = tpu.memref_slice %arg4[%add3A_70, %dma_wait3A_140] : memref<16384x1024xf32, #tpu.memory_space<hbm>> -> memref<8x1024xf32, #tpu.memory_space<hbm>>
      tpu.wait_dma2 semaphore(%run_scoped3A : memref<!tpu.dma_semaphore, #tpu.memory_space<semaphore_mem>>) src(%arg6 : memref<8x1024xf32, #tpu.memory_space<vmem>>) dst(%dma_wait3A_141 : memref<8x1024xf32, #tpu.memory_space<hbm>>)
      tpu.yield
    }) : () -> ()
    %dma_wait3A_71 = arith.constant 57 : i32
    %dma_wait3A_72 = arith.constant 0 : i32
    %dma_wait3A_73 = tpu.memref_slice %arg5[%dma_wait3A_71, %dma_wait3A_72] : memref<64x8xi32, #tpu.memory_space<vmem>> -> memref<1x8xi32, #tpu.memory_space<vmem>>
    %dma_wait3A_74 = tpu.memref_squeeze %dma_wait3A_73 : memref<1x8xi32, #tpu.memory_space<vmem>> -> memref<8xi32, #tpu.memory_space<vmem>>
    %dma_wait3A_75 = arith.constant 0 : i32
    %dma_wait3A_76 = arith.constant 0 : i32
    %dma_wait3A_77 = tpu.memref_slice %arg2[%dma_wait3A_75, %dma_wait3A_76] : memref<100000x1024xf32, #tpu.memory_space<hbm>> -> memref<100000x1024xf32, #tpu.memory_space<hbm>>
    tpu.wait_indirect_dma semaphore(%arg15 : memref<!tpu.dma_semaphore, #tpu.memory_space<semaphore_mem>>) src(%dma_wait3A_77 : memref<100000x1024xf32, #tpu.memory_space<hbm>>) dst(%arg7 : memref<8x1024xf32, #tpu.memory_space<vmem>>)
    %add3A_78 = arith.constant 456 : i32
    %add3A_79 = arith.addi %mul3A_2, %add3A_78 : i32
    "tpu.region"() ({
      %run_scoped3A = tpu.sem_alloc : memref<!tpu.dma_semaphore, #tpu.memory_space<semaphore_mem>>
      %dma_start3A_134 = arith.constant 0 : i32
      %dma_start3A_135 = tpu.memref_slice %arg4[%add3A_79, %dma_start3A_134] : memref<16384x1024xf32, #tpu.memory_space<hbm>> -> memref<8x1024xf32, #tpu.memory_space<hbm>>
      %dma_start3A_136 = arith.constant 0 : i32
      %dma_start3A_137 = tpu.memref_slice %arg4[%add3A_79, %dma_start3A_136] : memref<16384x1024xf32, #tpu.memory_space<hbm>> -> memref<8x1024xf32, #tpu.memory_space<hbm>>
      tpu.enqueue_dma source(%arg7 : memref<8x1024xf32, #tpu.memory_space<vmem>>) target(%dma_start3A_137 : memref<8x1024xf32, #tpu.memory_space<hbm>>) target_semaphore(%run_scoped3A : memref<!tpu.dma_semaphore, #tpu.memory_space<semaphore_mem>>)
      %dma_wait3A_138 = arith.constant 0 : i32
      %dma_wait3A_139 = tpu.memref_slice %arg4[%add3A_79, %dma_wait3A_138] : memref<16384x1024xf32, #tpu.memory_space<hbm>> -> memref<8x1024xf32, #tpu.memory_space<hbm>>
      %dma_wait3A_140 = arith.constant 0 : i32
      %dma_wait3A_141 = tpu.memref_slice %arg4[%add3A_79, %dma_wait3A_140] : memref<16384x1024xf32, #tpu.memory_space<hbm>> -> memref<8x1024xf32, #tpu.memory_space<hbm>>
      tpu.wait_dma2 semaphore(%run_scoped3A : memref<!tpu.dma_semaphore, #tpu.memory_space<semaphore_mem>>) src(%arg7 : memref<8x1024xf32, #tpu.memory_space<vmem>>) dst(%dma_wait3A_141 : memref<8x1024xf32, #tpu.memory_space<hbm>>)
      tpu.yield
    }) : () -> ()
    %dma_wait3A_80 = arith.constant 58 : i32
    %dma_wait3A_81 = arith.constant 0 : i32
    %dma_wait3A_82 = tpu.memref_slice %arg5[%dma_wait3A_80, %dma_wait3A_81] : memref<64x8xi32, #tpu.memory_space<vmem>> -> memref<1x8xi32, #tpu.memory_space<vmem>>
    %dma_wait3A_83 = tpu.memref_squeeze %dma_wait3A_82 : memref<1x8xi32, #tpu.memory_space<vmem>> -> memref<8xi32, #tpu.memory_space<vmem>>
    %dma_wait3A_84 = arith.constant 0 : i32
    %dma_wait3A_85 = arith.constant 0 : i32
    %dma_wait3A_86 = tpu.memref_slice %arg2[%dma_wait3A_84, %dma_wait3A_85] : memref<100000x1024xf32, #tpu.memory_space<hbm>> -> memref<100000x1024xf32, #tpu.memory_space<hbm>>
    tpu.wait_indirect_dma semaphore(%arg16 : memref<!tpu.dma_semaphore, #tpu.memory_space<semaphore_mem>>) src(%dma_wait3A_86 : memref<100000x1024xf32, #tpu.memory_space<hbm>>) dst(%arg8 : memref<8x1024xf32, #tpu.memory_space<vmem>>)
    %add3A_87 = arith.constant 464 : i32
    %add3A_88 = arith.addi %mul3A_2, %add3A_87 : i32
    "tpu.region"() ({
      %run_scoped3A = tpu.sem_alloc : memref<!tpu.dma_semaphore, #tpu.memory_space<semaphore_mem>>
      %dma_start3A_134 = arith.constant 0 : i32
      %dma_start3A_135 = tpu.memref_slice %arg4[%add3A_88, %dma_start3A_134] : memref<16384x1024xf32, #tpu.memory_space<hbm>> -> memref<8x1024xf32, #tpu.memory_space<hbm>>
      %dma_start3A_136 = arith.constant 0 : i32
      %dma_start3A_137 = tpu.memref_slice %arg4[%add3A_88, %dma_start3A_136] : memref<16384x1024xf32, #tpu.memory_space<hbm>> -> memref<8x1024xf32, #tpu.memory_space<hbm>>
      tpu.enqueue_dma source(%arg8 : memref<8x1024xf32, #tpu.memory_space<vmem>>) target(%dma_start3A_137 : memref<8x1024xf32, #tpu.memory_space<hbm>>) target_semaphore(%run_scoped3A : memref<!tpu.dma_semaphore, #tpu.memory_space<semaphore_mem>>)
      %dma_wait3A_138 = arith.constant 0 : i32
      %dma_wait3A_139 = tpu.memref_slice %arg4[%add3A_88, %dma_wait3A_138] : memref<16384x1024xf32, #tpu.memory_space<hbm>> -> memref<8x1024xf32, #tpu.memory_space<hbm>>
      %dma_wait3A_140 = arith.constant 0 : i32
      %dma_wait3A_141 = tpu.memref_slice %arg4[%add3A_88, %dma_wait3A_140] : memref<16384x1024xf32, #tpu.memory_space<hbm>> -> memref<8x1024xf32, #tpu.memory_space<hbm>>
      tpu.wait_dma2 semaphore(%run_scoped3A : memref<!tpu.dma_semaphore, #tpu.memory_space<semaphore_mem>>) src(%arg8 : memref<8x1024xf32, #tpu.memory_space<vmem>>) dst(%dma_wait3A_141 : memref<8x1024xf32, #tpu.memory_space<hbm>>)
      tpu.yield
    }) : () -> ()
    %dma_wait3A_89 = arith.constant 59 : i32
    %dma_wait3A_90 = arith.constant 0 : i32
    %dma_wait3A_91 = tpu.memref_slice %arg5[%dma_wait3A_89, %dma_wait3A_90] : memref<64x8xi32, #tpu.memory_space<vmem>> -> memref<1x8xi32, #tpu.memory_space<vmem>>
    %dma_wait3A_92 = tpu.memref_squeeze %dma_wait3A_91 : memref<1x8xi32, #tpu.memory_space<vmem>> -> memref<8xi32, #tpu.memory_space<vmem>>
    %dma_wait3A_93 = arith.constant 0 : i32
    %dma_wait3A_94 = arith.constant 0 : i32
    %dma_wait3A_95 = tpu.memref_slice %arg2[%dma_wait3A_93, %dma_wait3A_94] : memref<100000x1024xf32, #tpu.memory_space<hbm>> -> memref<100000x1024xf32, #tpu.memory_space<hbm>>
    tpu.wait_indirect_dma semaphore(%arg17 : memref<!tpu.dma_semaphore, #tpu.memory_space<semaphore_mem>>) src(%dma_wait3A_95 : memref<100000x1024xf32, #tpu.memory_space<hbm>>) dst(%arg9 : memref<8x1024xf32, #tpu.memory_space<vmem>>)
    %add3A_96 = arith.constant 472 : i32
    %add3A_97 = arith.addi %mul3A_2, %add3A_96 : i32
    "tpu.region"() ({
      %run_scoped3A = tpu.sem_alloc : memref<!tpu.dma_semaphore, #tpu.memory_space<semaphore_mem>>
      %dma_start3A_134 = arith.constant 0 : i32
      %dma_start3A_135 = tpu.memref_slice %arg4[%add3A_97, %dma_start3A_134] : memref<16384x1024xf32, #tpu.memory_space<hbm>> -> memref<8x1024xf32, #tpu.memory_space<hbm>>
      %dma_start3A_136 = arith.constant 0 : i32
      %dma_start3A_137 = tpu.memref_slice %arg4[%add3A_97, %dma_start3A_136] : memref<16384x1024xf32, #tpu.memory_space<hbm>> -> memref<8x1024xf32, #tpu.memory_space<hbm>>
      tpu.enqueue_dma source(%arg9 : memref<8x1024xf32, #tpu.memory_space<vmem>>) target(%dma_start3A_137 : memref<8x1024xf32, #tpu.memory_space<hbm>>) target_semaphore(%run_scoped3A : memref<!tpu.dma_semaphore, #tpu.memory_space<semaphore_mem>>)
      %dma_wait3A_138 = arith.constant 0 : i32
      %dma_wait3A_139 = tpu.memref_slice %arg4[%add3A_97, %dma_wait3A_138] : memref<16384x1024xf32, #tpu.memory_space<hbm>> -> memref<8x1024xf32, #tpu.memory_space<hbm>>
      %dma_wait3A_140 = arith.constant 0 : i32
      %dma_wait3A_141 = tpu.memref_slice %arg4[%add3A_97, %dma_wait3A_140] : memref<16384x1024xf32, #tpu.memory_space<hbm>> -> memref<8x1024xf32, #tpu.memory_space<hbm>>
      tpu.wait_dma2 semaphore(%run_scoped3A : memref<!tpu.dma_semaphore, #tpu.memory_space<semaphore_mem>>) src(%arg9 : memref<8x1024xf32, #tpu.memory_space<vmem>>) dst(%dma_wait3A_141 : memref<8x1024xf32, #tpu.memory_space<hbm>>)
      tpu.yield
    }) : () -> ()
    %dma_wait3A_98 = arith.constant 60 : i32
    %dma_wait3A_99 = arith.constant 0 : i32
    %dma_wait3A_100 = tpu.memref_slice %arg5[%dma_wait3A_98, %dma_wait3A_99] : memref<64x8xi32, #tpu.memory_space<vmem>> -> memref<1x8xi32, #tpu.memory_space<vmem>>
    %dma_wait3A_101 = tpu.memref_squeeze %dma_wait3A_100 : memref<1x8xi32, #tpu.memory_space<vmem>> -> memref<8xi32, #tpu.memory_space<vmem>>
    %dma_wait3A_102 = arith.constant 0 : i32
    %dma_wait3A_103 = arith.constant 0 : i32
    %dma_wait3A_104 = tpu.memref_slice %arg2[%dma_wait3A_102, %dma_wait3A_103] : memref<100000x1024xf32, #tpu.memory_space<hbm>> -> memref<100000x1024xf32, #tpu.memory_space<hbm>>
    tpu.wait_indirect_dma semaphore(%arg18 : memref<!tpu.dma_semaphore, #tpu.memory_space<semaphore_mem>>) src(%dma_wait3A_104 : memref<100000x1024xf32, #tpu.memory_space<hbm>>) dst(%arg10 : memref<8x1024xf32, #tpu.memory_space<vmem>>)
    %add3A_105 = arith.constant 480 : i32
    %add3A_106 = arith.addi %mul3A_2, %add3A_105 : i32
    "tpu.region"() ({
      %run_scoped3A = tpu.sem_alloc : memref<!tpu.dma_semaphore, #tpu.memory_space<semaphore_mem>>
      %dma_start3A_134 = arith.constant 0 : i32
      %dma_start3A_135 = tpu.memref_slice %arg4[%add3A_106, %dma_start3A_134] : memref<16384x1024xf32, #tpu.memory_space<hbm>> -> memref<8x1024xf32, #tpu.memory_space<hbm>>
      %dma_start3A_136 = arith.constant 0 : i32
      %dma_start3A_137 = tpu.memref_slice %arg4[%add3A_106, %dma_start3A_136] : memref<16384x1024xf32, #tpu.memory_space<hbm>> -> memref<8x1024xf32, #tpu.memory_space<hbm>>
      tpu.enqueue_dma source(%arg10 : memref<8x1024xf32, #tpu.memory_space<vmem>>) target(%dma_start3A_137 : memref<8x1024xf32, #tpu.memory_space<hbm>>) target_semaphore(%run_scoped3A : memref<!tpu.dma_semaphore, #tpu.memory_space<semaphore_mem>>)
      %dma_wait3A_138 = arith.constant 0 : i32
      %dma_wait3A_139 = tpu.memref_slice %arg4[%add3A_106, %dma_wait3A_138] : memref<16384x1024xf32, #tpu.memory_space<hbm>> -> memref<8x1024xf32, #tpu.memory_space<hbm>>
      %dma_wait3A_140 = arith.constant 0 : i32
      %dma_wait3A_141 = tpu.memref_slice %arg4[%add3A_106, %dma_wait3A_140] : memref<16384x1024xf32, #tpu.memory_space<hbm>> -> memref<8x1024xf32, #tpu.memory_space<hbm>>
      tpu.wait_dma2 semaphore(%run_scoped3A : memref<!tpu.dma_semaphore, #tpu.memory_space<semaphore_mem>>) src(%arg10 : memref<8x1024xf32, #tpu.memory_space<vmem>>) dst(%dma_wait3A_141 : memref<8x1024xf32, #tpu.memory_space<hbm>>)
      tpu.yield
    }) : () -> ()
    %dma_wait3A_107 = arith.constant 61 : i32
    %dma_wait3A_108 = arith.constant 0 : i32
    %dma_wait3A_109 = tpu.memref_slice %arg5[%dma_wait3A_107, %dma_wait3A_108] : memref<64x8xi32, #tpu.memory_space<vmem>> -> memref<1x8xi32, #tpu.memory_space<vmem>>
    %dma_wait3A_110 = tpu.memref_squeeze %dma_wait3A_109 : memref<1x8xi32, #tpu.memory_space<vmem>> -> memref<8xi32, #tpu.memory_space<vmem>>
    %dma_wait3A_111 = arith.constant 0 : i32
    %dma_wait3A_112 = arith.constant 0 : i32
    %dma_wait3A_113 = tpu.memref_slice %arg2[%dma_wait3A_111, %dma_wait3A_112] : memref<100000x1024xf32, #tpu.memory_space<hbm>> -> memref<100000x1024xf32, #tpu.memory_space<hbm>>
    tpu.wait_indirect_dma semaphore(%arg19 : memref<!tpu.dma_semaphore, #tpu.memory_space<semaphore_mem>>) src(%dma_wait3A_113 : memref<100000x1024xf32, #tpu.memory_space<hbm>>) dst(%arg11 : memref<8x1024xf32, #tpu.memory_space<vmem>>)
    %add3A_114 = arith.constant 488 : i32
    %add3A_115 = arith.addi %mul3A_2, %add3A_114 : i32
    "tpu.region"() ({
      %run_scoped3A = tpu.sem_alloc : memref<!tpu.dma_semaphore, #tpu.memory_space<semaphore_mem>>
      %dma_start3A_134 = arith.constant 0 : i32
      %dma_start3A_135 = tpu.memref_slice %arg4[%add3A_115, %dma_start3A_134] : memref<16384x1024xf32, #tpu.memory_space<hbm>> -> memref<8x1024xf32, #tpu.memory_space<hbm>>
      %dma_start3A_136 = arith.constant 0 : i32
      %dma_start3A_137 = tpu.memref_slice %arg4[%add3A_115, %dma_start3A_136] : memref<16384x1024xf32, #tpu.memory_space<hbm>> -> memref<8x1024xf32, #tpu.memory_space<hbm>>
      tpu.enqueue_dma source(%arg11 : memref<8x1024xf32, #tpu.memory_space<vmem>>) target(%dma_start3A_137 : memref<8x1024xf32, #tpu.memory_space<hbm>>) target_semaphore(%run_scoped3A : memref<!tpu.dma_semaphore, #tpu.memory_space<semaphore_mem>>)
      %dma_wait3A_138 = arith.constant 0 : i32
      %dma_wait3A_139 = tpu.memref_slice %arg4[%add3A_115, %dma_wait3A_138] : memref<16384x1024xf32, #tpu.memory_space<hbm>> -> memref<8x1024xf32, #tpu.memory_space<hbm>>
      %dma_wait3A_140 = arith.constant 0 : i32
      %dma_wait3A_141 = tpu.memref_slice %arg4[%add3A_115, %dma_wait3A_140] : memref<16384x1024xf32, #tpu.memory_space<hbm>> -> memref<8x1024xf32, #tpu.memory_space<hbm>>
      tpu.wait_dma2 semaphore(%run_scoped3A : memref<!tpu.dma_semaphore, #tpu.memory_space<semaphore_mem>>) src(%arg11 : memref<8x1024xf32, #tpu.memory_space<vmem>>) dst(%dma_wait3A_141 : memref<8x1024xf32, #tpu.memory_space<hbm>>)
      tpu.yield
    }) : () -> ()
    %dma_wait3A_116 = arith.constant 62 : i32
    %dma_wait3A_117 = arith.constant 0 : i32
    %dma_wait3A_118 = tpu.memref_slice %arg5[%dma_wait3A_116, %dma_wait3A_117] : memref<64x8xi32, #tpu.memory_space<vmem>> -> memref<1x8xi32, #tpu.memory_space<vmem>>
    %dma_wait3A_119 = tpu.memref_squeeze %dma_wait3A_118 : memref<1x8xi32, #tpu.memory_space<vmem>> -> memref<8xi32, #tpu.memory_space<vmem>>
    %dma_wait3A_120 = arith.constant 0 : i32
    %dma_wait3A_121 = arith.constant 0 : i32
    %dma_wait3A_122 = tpu.memref_slice %arg2[%dma_wait3A_120, %dma_wait3A_121] : memref<100000x1024xf32, #tpu.memory_space<hbm>> -> memref<100000x1024xf32, #tpu.memory_space<hbm>>
    tpu.wait_indirect_dma semaphore(%arg20 : memref<!tpu.dma_semaphore, #tpu.memory_space<semaphore_mem>>) src(%dma_wait3A_122 : memref<100000x1024xf32, #tpu.memory_space<hbm>>) dst(%arg12 : memref<8x1024xf32, #tpu.memory_space<vmem>>)
    %add3A_123 = arith.constant 496 : i32
    %add3A_124 = arith.addi %mul3A_2, %add3A_123 : i32
    "tpu.region"() ({
      %run_scoped3A = tpu.sem_alloc : memref<!tpu.dma_semaphore, #tpu.memory_space<semaphore_mem>>
      %dma_start3A_134 = arith.constant 0 : i32
      %dma_start3A_135 = tpu.memref_slice %arg4[%add3A_124, %dma_start3A_134] : memref<16384x1024xf32, #tpu.memory_space<hbm>> -> memref<8x1024xf32, #tpu.memory_space<hbm>>
      %dma_start3A_136 = arith.constant 0 : i32
      %dma_start3A_137 = tpu.memref_slice %arg4[%add3A_124, %dma_start3A_136] : memref<16384x1024xf32, #tpu.memory_space<hbm>> -> memref<8x1024xf32, #tpu.memory_space<hbm>>
      tpu.enqueue_dma source(%arg12 : memref<8x1024xf32, #tpu.memory_space<vmem>>) target(%dma_start3A_137 : memref<8x1024xf32, #tpu.memory_space<hbm>>) target_semaphore(%run_scoped3A : memref<!tpu.dma_semaphore, #tpu.memory_space<semaphore_mem>>)
      %dma_wait3A_138 = arith.constant 0 : i32
      %dma_wait3A_139 = tpu.memref_slice %arg4[%add3A_124, %dma_wait3A_138] : memref<16384x1024xf32, #tpu.memory_space<hbm>> -> memref<8x1024xf32, #tpu.memory_space<hbm>>
      %dma_wait3A_140 = arith.constant 0 : i32
      %dma_wait3A_141 = tpu.memref_slice %arg4[%add3A_124, %dma_wait3A_140] : memref<16384x1024xf32, #tpu.memory_space<hbm>> -> memref<8x1024xf32, #tpu.memory_space<hbm>>
      tpu.wait_dma2 semaphore(%run_scoped3A : memref<!tpu.dma_semaphore, #tpu.memory_space<semaphore_mem>>) src(%arg12 : memref<8x1024xf32, #tpu.memory_space<vmem>>) dst(%dma_wait3A_141 : memref<8x1024xf32, #tpu.memory_space<hbm>>)
      tpu.yield
    }) : () -> ()
    %dma_wait3A_125 = arith.constant 63 : i32
    %dma_wait3A_126 = arith.constant 0 : i32
    %dma_wait3A_127 = tpu.memref_slice %arg5[%dma_wait3A_125, %dma_wait3A_126] : memref<64x8xi32, #tpu.memory_space<vmem>> -> memref<1x8xi32, #tpu.memory_space<vmem>>
    %dma_wait3A_128 = tpu.memref_squeeze %dma_wait3A_127 : memref<1x8xi32, #tpu.memory_space<vmem>> -> memref<8xi32, #tpu.memory_space<vmem>>
    %dma_wait3A_129 = arith.constant 0 : i32
    %dma_wait3A_130 = arith.constant 0 : i32
    %dma_wait3A_131 = tpu.memref_slice %arg2[%dma_wait3A_129, %dma_wait3A_130] : memref<100000x1024xf32, #tpu.memory_space<hbm>> -> memref<100000x1024xf32, #tpu.memory_space<hbm>>
    tpu.wait_indirect_dma semaphore(%arg21 : memref<!tpu.dma_semaphore, #tpu.memory_space<semaphore_mem>>) src(%dma_wait3A_131 : memref<100000x1024xf32, #tpu.memory_space<hbm>>) dst(%arg13 : memref<8x1024xf32, #tpu.memory_space<vmem>>)
    %add3A_132 = arith.constant 504 : i32
    %add3A_133 = arith.addi %mul3A_2, %add3A_132 : i32
    "tpu.region"() ({
      %run_scoped3A = tpu.sem_alloc : memref<!tpu.dma_semaphore, #tpu.memory_space<semaphore_mem>>
      %dma_start3A_134 = arith.constant 0 : i32
      %dma_start3A_135 = tpu.memref_slice %arg4[%add3A_133, %dma_start3A_134] : memref<16384x1024xf32, #tpu.memory_space<hbm>> -> memref<8x1024xf32, #tpu.memory_space<hbm>>
      %dma_start3A_136 = arith.constant 0 : i32
      %dma_start3A_137 = tpu.memref_slice %arg4[%add3A_133, %dma_start3A_136] : memref<16384x1024xf32, #tpu.memory_space<hbm>> -> memref<8x1024xf32, #tpu.memory_space<hbm>>
      tpu.enqueue_dma source(%arg13 : memref<8x1024xf32, #tpu.memory_space<vmem>>) target(%dma_start3A_137 : memref<8x1024xf32, #tpu.memory_space<hbm>>) target_semaphore(%run_scoped3A : memref<!tpu.dma_semaphore, #tpu.memory_space<semaphore_mem>>)
      %dma_wait3A_138 = arith.constant 0 : i32
      %dma_wait3A_139 = tpu.memref_slice %arg4[%add3A_133, %dma_wait3A_138] : memref<16384x1024xf32, #tpu.memory_space<hbm>> -> memref<8x1024xf32, #tpu.memory_space<hbm>>
      %dma_wait3A_140 = arith.constant 0 : i32
      %dma_wait3A_141 = tpu.memref_slice %arg4[%add3A_133, %dma_wait3A_140] : memref<16384x1024xf32, #tpu.memory_space<hbm>> -> memref<8x1024xf32, #tpu.memory_space<hbm>>
      tpu.wait_dma2 semaphore(%run_scoped3A : memref<!tpu.dma_semaphore, #tpu.memory_space<semaphore_mem>>) src(%arg13 : memref<8x1024xf32, #tpu.memory_space<vmem>>) dst(%dma_wait3A_141 : memref<8x1024xf32, #tpu.memory_space<hbm>>)
      tpu.yield
    }) : () -> ()
    return
  }
}

</mosaic_0001>

<sc_bundles>
// kernel: kernel.3.cloned.1.call-start
scs
__scs_entry_jumppad:
0x0: {  	(pc) =	sbr.rel $0x88, $3  }
0x1: {  	(tag) =	ssettag $0x0;
	lr =	simm.s32 $0x1  }
0x2: {  	[smem:$0x3F9F] =	sst lr;
	_ =	strace $0xD0000000  }
0x3: {  	_ = 	snop  }
0x4: {  	_ = 	snop  }
0x5: {  	_ = 	snop  }
0x6: {  	_ = 	snop  }
0x7: {  	_ = 	snop  }
__scs_overlays_trampoline_lowered:
0x8: {  	[smem:$0x3FAE] =	sst s0  }
0x9: {  	[smem:$0x3FAF] =	sst s1  }
0xa: {  	[smem:$0x3FB0] =	sst s2  }
0xb: {  	[smem:$0x3FB1] =	sst s3  }
0xc: {  	[smem:$0x3FB2] =	sst s4  }
0xd: {  	[smem:$0x3FB3] =	sst s5  }
0xe: {  	[smem:$0x3FB4] =	sst s6  }
0xf: {  	[smem:$0x3FB5] =	sst s7  }
0x10: {  	[smem:$0x3FB6] =	sst s8  }
0x11: {  	[smem:$0x3FB7] =	sst s9;
	s0 =	simm.s32 @!p0 $0x0  }
0x12: {  	s1 =	sld [smem:$0x3F9D];
	s0 =	simm.s32 @p0 $0x1  }
0x13: {  	[smem:$0x3FB8] =	sst s0;
	s0 =	simm.s32 @!p1 $0x0  }
0x14: {  	s2 =	sld [smem:$0x3F9C];
	s0 =	simm.s32 @p1 $0x1  }
0x15: {  	[smem:$0x3FB9] =	sst s0;
	s0 =	simm.s32 @!p2 $0x0  }
0x16: {  	s3 =	sld [smem:$0x3FDB];
	s0 =	simm.s32 @p2 $0x1  }
0x17: {  	s4 =	simm.s32 $0x1BF5;
	[smem:$0x3FBB] =	sst s0  }
0x18: {  	s0 =	sld [smem:$0x3F9E];
	_ =	swait.ge [sflag:s4], $0x0  }
0x19: {  	s7 =	sld [smem:$0x3F9F]  }
0x1a: {  	s8 =	sadd.s32 $0xFFFFE003, lr  }
0x1b: {  	s9 =	sadd.s32 $0xFFFFFEF7, lr;
	s5 =	simm.s32 $0xFFFFFFFF;
	p2 =	slt.u32 s8, $0xFFFFF086  }
0x1c: {  	p1 =	slt.u32 s9, $0xF7A;
	s5 =	simm.s32 @!p2 $0x0  }
0x1d: {  	s5 =	simm.s32 @p1 $0x1;
	p0 =	seq.s32 s7, s2  }
0x1e: {  	s7 =	smul.u32 @!p0 $0xF7A, s2;
	p2 =	seq.s32 @!p0 s5, $0x0  }
0x1f: {  	s9 =	smul.u32 $0xF7A, s1;
	s8 =	simm.s32 @!p0 $0x1BF5;
	p2 =	por !p2, p0  }
0x20: {  	[sflag:s8] =	ssyncset.s32 @!p0 $0xFFFFF086;
	s6 =	sadd.s32 @!p0 s3, s7;
	s7 =	simm.s32 @!p0 $0x108  }
0x21: {  	s3 =	sadd.s32 s3, s9;
	s6 =	sadd.s32 @!p0 $0x88, s6;
	s7 =	simm.s32 @p2 $0x1082  }
0x22: {  	[simem:s7], [sflag:s8] =	dma.local @!p0 [hbm:s6], $0xF7A  }
0x23: {  	s9 =	sor.u32 $0xD0000000, s2;
	s6 =	simm.s32 $0x108;
	_ =	swait.ge @!p0 [sflag:s8], $0x0  }
0x24: {  	s3 =	sadd.s32 $0x88, s3;
	s6 =	simm.s32 @!p1 $0x1082;
	[sflag:s4] =	ssyncset.s32 $0xFFFFF086  }
0x25: {  	[simem:s6], [sflag:s4] =	dma.local [hbm:s3], $0xF7A  }
0x26: {  	[smem:$0x3F9F] =	sst s1;
	(tag) =	ssettag s2;
	_ =	strace s9  }
0x27: {  	s1 =	sld [smem:$0x3FAF]  }
0x28: {  	s2 =	sld [smem:$0x3FB0]  }
0x29: {  	s4 =	sld [smem:$0x3FB2]  }
0x2a: {  	p0 =	seq.s32 s5, $0x0;
	s5 =	sld [smem:$0x3FB3]  }
0x2b: {  	s6 =	sld [smem:$0x3FB4]  }
0x2c: {  	s7 =	sld [smem:$0x3FB5]  }
0x2d: {  	s3 =	simm.s32 $0x108;
	s8 =	sld [smem:$0x3FB6]  }
0x2e: {  	s3 =	simm.s32 @!p0 $0x1082;
	s9 =	sld [smem:$0x3FB7]  }
0x2f: {  	lr =	sadd.s32 s0, s3;
	s0 =	sld [smem:$0x3FAE]  }
0x30: {  	s3 =	sld [smem:$0x3FB1]  }
0x31: {  	[smem:$0x3FBA] =	sst s10  }
0x32: {  	s10 =	sld [smem:$0x3FB8];
	_ =	sdelay $0x3  }
0x33: {  	p0 =	seq.s32 s10, $0x1;
	s10 =	sld [smem:$0x3FBA];
	_ =	sdelay $0x3  }
0x34: {  	[smem:$0x3FBA] =	sst s10  }
0x35: {  	s10 =	sld [smem:$0x3FB9];
	_ =	sdelay $0x3  }
0x36: {  	p1 =	seq.s32 s10, $0x1;
	s10 =	sld [smem:$0x3FBA];
	_ =	sdelay $0x3  }
0x37: {  	[smem:$0x3FBA] =	sst s10  }
0x38: {  	s10 =	sld [smem:$0x3FBB]  }
0x39: {  	_ = 	snop;
	(pc) =	sbr.ind lr, $3  }
0x3a: {  	_ = 	snop  }
0x3b: {  	_ = 	snop  }
0x3c: {  	p2 =	seq.s32 s10, $0x1;
	s10 =	sld [smem:$0x3FBA]  }
0x3d: {  	_ =	shalt  }
0x3e: {  	_ =	shalt  }
0x3f: {  	_ =	shalt  }
0x40: {  	_ =	shalt  }
0x41: {  	_ =	shalt  }
0x42: {  	_ =	shalt  }
0x43: {  	_ =	shalt  }
0x44: {  	_ =	shalt  }
0x45: {  	_ =	shalt  }
0x46: {  	_ =	shalt  }
0x47: {  	_ =	shalt  }
0x48: {  	_ =	shalt  }
0x49: {  	_ =	shalt  }
0x4a: {  	_ =	shalt  }
0x4b: {  	_ =	shalt  }
0x4c: {  	_ =	shalt  }
0x4d: {  	_ =	shalt  }
0x4e: {  	_ =	shalt  }
0x4f: {  	_ =	shalt  }
0x50: {  	_ =	shalt  }
0x51: {  	_ =	shalt  }
0x52: {  	_ =	shalt  }
0x53: {  	_ =	shalt  }
0x54: {  	_ =	shalt  }
0x55: {  	_ =	shalt  }
0x56: {  	_ =	shalt  }
0x57: {  	_ =	shalt  }
0x58: {  	_ =	shalt  }
0x59: {  	_ =	shalt  }
0x5a: {  	_ =	shalt  }
0x5b: {  	_ =	shalt  }
0x5c: {  	_ =	shalt  }
0x5d: {  	_ =	shalt  }
0x5e: {  	_ =	shalt  }
0x5f: {  	_ =	shalt  }
0x60: {  	_ =	shalt  }
0x61: {  	_ =	shalt  }
0x62: {  	_ =	shalt  }
0x63: {  	_ =	shalt  }
0x64: {  	_ =	shalt  }
0x65: {  	_ =	shalt  }
0x66: {  	_ =	shalt  }
0x67: {  	_ =	shalt  }
0x68: {  	_ =	shalt  }
0x69: {  	_ =	shalt  }
0x6a: {  	_ =	shalt  }
0x6b: {  	_ =	shalt  }
0x6c: {  	_ =	shalt  }
0x6d: {  	_ =	shalt  }
0x6e: {  	_ =	shalt  }
0x6f: {  	_ =	shalt  }
0x70: {  	_ =	shalt  }
0x71: {  	_ =	shalt  }
0x72: {  	_ =	shalt  }
0x73: {  	_ =	shalt  }
0x74: {  	_ =	shalt  }
0x75: {  	_ =	shalt  }
0x76: {  	_ =	shalt  }
0x77: {  	_ =	shalt  }
0x78: {  	_ =	shalt  }
0x79: {  	_ =	shalt  }
0x7a: {  	_ =	shalt  }
0x7b: {  	_ =	shalt  }
0x7c: {  	_ =	shalt  }
0x7d: {  	_ =	shalt  }
0x7e: {  	_ =	shalt  }
0x7f: {  	_ =	shalt  }
0x80: {  	_ =	shalt  }
0x81: {  	_ =	shalt  }
0x82: {  	_ =	shalt  }
0x83: {  	_ =	shalt  }
0x84: {  	_ =	shalt  }
0x85: {  	_ =	shalt  }
0x86: {  	_ =	shalt  }
0x87: {  	_ =	shalt  }
.Lfunc_end0:
.L_simem_size_0:
called_computation_lowered:
.L_overlay_start_0:
0x88: {  	s2 =	sld [smem:$0x3FD9]  }
0x89: {  	s3 =	sld [smem:$0x3FFE];
	_ =	sdelay $0x1  }
0x8a: {  	s1 =	srdreg.scid  }
0x8b: {  	s0 =	sand.u32 $0x1, s1  }
0x8c: {  	s17 =	sshll.u32 s0, $0xA;
	s2 =	sadd.s32 s3, s2  }
0x8d: {  	s2 =	sadd.s32 s2, s17  }
0x8e: {  	[smem:$0x3FC6] =	sst s2  }
0x8f: {  	_ = 	snop  }
0x90: {  	s2 =	sld [smem:$0x3FC8]  }
0x91: {  	s18 =	sld [smem:$0x3FD0];
	(tm) =	ssettm $0x1  }
0x92: {  	s4 =	sld [smem:$0x3FFB];
	_ =	sdelay $0x3  }
0x93: {  	_ =	strace s4  }
0x94: {  	s4 =	sld [smem:$0x3FFC];
	_ =	sdelay $0x3  }
0x95: {  	_ =	strace s4  }
0x96: {  	s4 =	sld [smem:$0x3FFD];
	_ =	sdelay $0x3  }
0x97: {  	_ =	strace s4  }
0x98: {  	_ =	strace $0x8FFFFFFF  }
0x99: {  	s19 =	sld [smem:$0x3FDB];
	_ =	sdelay $0x1  }
0x9a: {  	s5 =	simm.s32 $_scs_section_size  }
0x9b: {  	s6 =	simm.s32 $_size__tile_overlayer_lowered;
	s7 =	simm.s32 $_tile_overlayer_lowered  }
0x9c: {  	s22 =	simm.s32 $0x1BFF;
	s21 =	sshll.u32 s7, $0x1;
	s4 =	sadd.s32 s5, s19  }
0x9d: {  	s8 =	simm.s32 $0x0;
	s20 =	sshll.u32 s6, $0x1;
	s6 =	sadd.s32 s21, s4  }
0x9e: {  	[timem:s8], [sflag:s22] =	dma.local [hbm:s6], s20  }
0x9f: {  	_ =	swait.ge [sflag:s22], s20  }
0xa0: {  	s5 =	ssub.s32 $0x0, s20;
	[sflag:s22] =	ssyncset.done $0x0  }
0xa1: {  	[sflag:s22] =	ssyncadd.s32 s5;
	_ =	sdelay $0x1  }
0xa2: {  	s23 =	simm.s32 $0x1B8B  }
0xa3: {  	_ =	swait.ge [sflag:s23], $0x1  }
0xa4: {  	[sflag:s23] =	ssyncset.done $0x0  }
0xa5: {  	s25 =	simm.s32 $0x1B8E;
	s24 =	sld [smem:$0x3FFE];
	[sflag:s23] =	ssyncadd.s32 $0xFFFFFFFF  }
0xa6: {  	s26 =	simm.s32 $execute0_lowered;
	[smem:$0x3FD2] =	sst s25  }
0xa7: {  	s6 =	sshll.u32 s26, $0x1;
	_ =	strace $0x80000046;
	[dreg:$0x1] =	wrdreg $0xFFFFFFFF  }
0xa8: {  	s28 =	simm.s32 $_size_execute0_lowered;
	s4 =	sadd.s32 s4, s6;
	[dreg:$0x0] =	wrdreg $0x0  }
0xa9: {  	s6 =	sshll.u32 s28, $0x1;
	[dreg:$0x2] =	wrdreg s4  }
0xaa: {  	[dreg:$0x3] =	wrdreg s6  }
0xab: {  	[dreg:$0x4] =	wrdreg $0xC0  }
0xac: {  	_ =	task [dreg:s8], $0x5FFFF  }
0xad: {  	[dreg:$0x1] =	wrdreg $0xFFFFFFFF  }
0xae: {  	[dreg:$0x0] =	wrdreg $0x60  }
0xaf: {  	[dreg:$0x2] =	wrdreg s2  }
0xb0: {  	[dreg:$0x3] =	wrdreg s24  }
0xb1: {  	[dreg:$0x4] =	wrdreg s18  }
0xb2: {  	[dreg:$0x5] =	wrdreg $0x9  }
0xb3: {  	_ =	task.clear_ibuf [dreg:s8], $0x6FFFF;
	_ =	strace $0x90000046  }
0xb4: {  	s29 =	simm.s32 $0x9;
	_ =	strace $0x80000048  }
0xb5: {  	_ =	swait.ge [sflag:s29], $0x1  }
0xb6: {  	[sflag:s29] =	ssyncadd.s32 $0xFFFFFFFF  }
0xb7: {  	_ =	strace $0x90000048  }
0xb8: {  	_ =	sfence  }
0xb9: {  	s30 =	sld [smem:$0x0];
	_ =	sdelay $0x2  }
0xba: {  	s31 =	sshll.u32 s1, $0xD;
	s1 =	sshrl.u32 s1, $0x2  }
0xbb: {  	s3 =	sand.u32 $0x4000, s31;
	s1 =	sadd.s32 s1, s30  }
0xbc: {  	s0 =	sor.u32 s3, s0;
	s1 =	sshll.u32 s1, $0x11  }
0xbd: {  	s0 =	sor.u32 s1, s0  }
0xbe: {  	s0 =	sadd.s32 $0x8F2B, s0  }
0xbf: {  	[sflag:s0] =	ssyncadd.remote.s32 $0x1  }
0xc0: {  	_ =	sfence.sel $0xFFFF  }
0xc1: {  	[dreg:$0x0] =	wrdreg $0xFFFFFFFF;
	(pc) =	sbr.abs _section_cstart, $3  }
0xc2: {  	[dreg:$0x1] =	wrdreg $0xFFFFFFFF  }
0xc3: {  	_ =	task.clear_ibuf [dreg:s8], $0x2FFFF;
	_ =	strace $0x9FFFFFFF  }
0xc4: {  	(tm) =	ssettm $0x7FFFFFFF  }
0xc5: {  	_ =	shalt  }
tec
execute0_lowered:
.L_overlay_start_1:
0x0: {  	(tag) =	ssettag $0x1  }
0x1: {  	s1 =	rddreg [dreg:$0x0]  }
0x2: {  	s0 =	rddreg [dreg:$0x1]  }
0x3: {  	s2 =	srdreg.scid;
	s9 =	stileid.u32  }
0x4: {  	s4 =	rddreg [dreg:$0x2];
	s3 =	simm.s32 $0x0;
	s17 =	simm.s32 $0x9  }
0x5: {  	s14 =	simm.s32 $0x3000;
	s15 =	simm.s32 $0x3800;
	s31 =	simm.s32 $0x6000  }
0x6: {  	s28 =	simm.s32 $0xA000;
	s12 =	simm.s32 $0xC000;
	s16 =	simm.s32 $0xE000  }
0x7: {  	s29 =	simm.s32 $0x1;
	s30 =	simm.s32 $0x2;
	s11 =	simm.s32 $0x8  }
0x8: {  	s13 =	simm.s32 $0x0;
	s2 =	sand.u32 $0x1, s2;
	s5 =	sshll.u32 s9, $0x1  }
0x9: {  	[smem:$0x7FF] =	sst s3;
	s9 =	sshll.u32 s9, $0x11;
	s5 =	sor.u32 s2, s5  }
0xa: {  	s7 =	ssub.s32 $0x2, s2;
	_ =	strace $0x80000047;
	s6 =	sshll.u32 s5, $0xA  }
0xb: {  	[dreg:$0xf] =	wrdreg s13;
	s18 =	sshrl.u32 s7, $0x1;
	s0 =	sadd.s32 s6, s0  }
0xc: {  	s19 =	sshll.u32 s5, $0x10;
	s8 =	ssub.s32 s7, s18;
	s0 =	sadd.s32 $0x400, s0  }
0xd: {  	s26 =	smax.u32 s8, $0x1;
	[dreg:$0x5] =	wrdreg s0;
	s0 =	sadd.s32 s19, s4  }
0xe: {  	s2 =	sshll.u32 s2, $0x10;
	[dreg:$0xe] =	wrdreg s26;
	s10 =	sadd.s32 $0xE000, s0  }
0xf: {  	s5 =	sadd.s32 $0x100, s1;
	s20 =	sadd.s32 $0xE400, s0;
	[dreg:$0x6] =	wrdreg s10  }
0x10: {  	s6 =	sadd.s32 $0x200, s1;
	s21 =	sadd.s32 $0xE800, s0;
	[dreg:$0x7] =	wrdreg s20  }
0x11: {  	s7 =	sadd.s32 $0x300, s1;
	s22 =	sadd.s32 $0xEC00, s0;
	[dreg:$0x8] =	wrdreg s21  }
0x12: {  	s18 =	simm.s32 $0x6800;
	s23 =	sadd.s32 $0xF000, s0;
	[dreg:$0x9] =	wrdreg s22  }
0x13: {  	s8 =	simm.s32 $0x7800;
	s24 =	sadd.s32 $0xF400, s0;
	[dreg:$0xa] =	wrdreg s23  }
0x14: {  	s4 =	sadd.s32 s9, s4;
	s25 =	sadd.s32 $0xF800, s0;
	[dreg:$0xb] =	wrdreg s24  }
0x15: {  	s19 =	simm.s32 $0x2800;
	s0 =	sadd.s32 $0xFC00, s0;
	[dreg:$0xc] =	wrdreg s25  }
0x16: {  	s26 =	simm.s32 $0x4000;
	s2 =	sadd.s32 s2, s4;
	[dreg:$0xd] =	wrdreg s0  }
0x17: {  	s9 =	simm.s32 $0x6;
	s4 =	simm.s32 $0x5;
	[dreg:$0x4] =	wrdreg s2  }
0x18: {  	v0 =	vlaneseq.u32;
	s22 =	simm.s32 $0x2000;
	s20 =	simm.s32 $0x4800;
	s21 =	simm.s32 $0x5000  }
0x19: {  	v1 =	vshrl.u32 v0, $0x3;
	s25 =	simm.s32 $0x5800;
	s24 =	simm.s32 $0x8000;
	s23 =	simm.s32 $0x10000  }
0x1a: {  	vm0 =	vmmov $0xffff;
	v0 =	vand.u32 $0x7, v0;
	v1 =	vmul.u32 $0x8, v1;
	s2 =	simm.s32 $0x3;
	s0 =	simm.s32 $0x4;
	s10 =	simm.s32 $0x7  }
.LBB2_1:
0x1b: {  	s13 =	rddreg [dreg:$0x5]  }
0x1c: {  	[tilespmem:s3], [sflag:$0x9] =	stream.linear.gather [hbm4b:s13+s3], $0x2000, $0x38;
	[tilespmem:$0x12000] =	vst v63  }
0x1d: {  	_ =	swait.ge [sflag:s17], $0x2000  }
0x1e: {  	[sflag:s17] =	ssyncset.done $0x0  }
0x1f: {  	[sflag:s17] =	ssyncadd.s32 $0xFFFFE000  }
0x20: {  	v2 =	vld.msk [tilespmem:$0x0], $0xff;
	_ =	sdelay $0x4  }
0x21: {  	v3 =	vshll.u32 v2, $0x3  }
0x22: {  	v2 =	vand.u32 $0x7, v2;
	v3 =	vand.u32 $0xFFFFFFC0, v3  }
0x23: {  	v2 =	vor.u32 v2, v3  }
0x24: {  	v2 =	vperm.xlane v2, v0;
	_ =	sdelay $0x1  }
0x25: {  	v2 =	vadd.s32 v1, v2;
	_ =	sdelay $0x4  }
0x26: {  	[tilespmem:s22], [sflag:$0x1] =	stream.indirect_vreg.gather [hbm4b:s1+s3], $0x80, v2, vm0, $0xb8;
	[tilespmem:$0x12000] =	vst v63  }
0x27: {  	_ = 	snop  }
0x28: {  	[tilespmem:s19], [sflag:$0x1] =	stream.indirect_vreg.gather [hbm4b:s5+s3], $0x80, v2, vm0, $0xb8;
	[tilespmem:$0x12000] =	vst v63  }
0x29: {  	_ = 	snop  }
0x2a: {  	[tilespmem:s14], [sflag:$0x1] =	stream.indirect_vreg.gather [hbm4b:s6+s3], $0x80, v2, vm0, $0xb8;
	[tilespmem:$0x12000] =	vst v63  }
0x2b: {  	_ = 	snop  }
0x2c: {  	[tilespmem:s15], [sflag:$0x1] =	stream.indirect_vreg.gather [hbm4b:s7+s3], $0x80, v2, vm0, $0xb8;
	[tilespmem:$0x12000] =	vst v63  }
0x2d: {  	v2 =	vld.msk [tilespmem:$0x80], $0xff;
	_ =	sdelay $0x4  }
0x2e: {  	v3 =	vshll.u32 v2, $0x3  }
0x2f: {  	v2 =	vand.u32 $0x7, v2;
	v3 =	vand.u32 $0xFFFFFFC0, v3  }
0x30: {  	v2 =	vor.u32 v2, v3  }
0x31: {  	v2 =	vperm.xlane v2, v0;
	_ =	sdelay $0x1  }
0x32: {  	v2 =	vadd.s32 v1, v2;
	_ =	sdelay $0x4  }
0x33: {  	[tilespmem:s26], [sflag:$0x2] =	stream.indirect_vreg.gather [hbm4b:s1+s3], $0x80, v2, vm0, $0xb8;
	[tilespmem:$0x12000] =	vst v63  }
0x34: {  	_ = 	snop  }
0x35: {  	[tilespmem:s20], [sflag:$0x2] =	stream.indirect_vreg.gather [hbm4b:s5+s3], $0x80, v2, vm0, $0xb8;
	[tilespmem:$0x12000] =	vst v63  }
0x36: {  	_ = 	snop  }
0x37: {  	[tilespmem:s21], [sflag:$0x2] =	stream.indirect_vreg.gather [hbm4b:s6+s3], $0x80, v2, vm0, $0xb8;
	[tilespmem:$0x12000] =	vst v63  }
0x38: {  	_ = 	snop  }
0x39: {  	[tilespmem:s25], [sflag:$0x2] =	stream.indirect_vreg.gather [hbm4b:s7+s3], $0x80, v2, vm0, $0xb8;
	[tilespmem:$0x12000] =	vst v63  }
0x3a: {  	v2 =	vld.msk [tilespmem:$0x100], $0xff;
	_ =	sdelay $0x4  }
0x3b: {  	v3 =	vshll.u32 v2, $0x3  }
0x3c: {  	v2 =	vand.u32 $0x7, v2;
	v3 =	vand.u32 $0xFFFFFFC0, v3  }
0x3d: {  	v2 =	vor.u32 v2, v3  }
0x3e: {  	v2 =	vperm.xlane v2, v0;
	_ =	sdelay $0x1  }
0x3f: {  	v2 =	vadd.s32 v1, v2;
	_ =	sdelay $0x4  }
0x40: {  	[tilespmem:s31], [sflag:$0x3] =	stream.indirect_vreg.gather [hbm4b:s1+s3], $0x80, v2, vm0, $0xb8;
	[tilespmem:$0x12000] =	vst v63  }
0x41: {  	_ = 	snop  }
0x42: {  	[tilespmem:s18], [sflag:$0x3] =	stream.indirect_vreg.gather [hbm4b:s5+s3], $0x80, v2, vm0, $0xb8;
	[tilespmem:$0x12000] =	vst v63  }
0x43: {  	s26 =	simm.s32 $0x7000  }
0x44: {  	[tilespmem:s26], [sflag:$0x3] =	stream.indirect_vreg.gather [hbm4b:s6+s3], $0x80, v2, vm0, $0xb8;
	[tilespmem:$0x12000] =	vst v63  }
0x45: {  	_ = 	snop  }
0x46: {  	[tilespmem:s8], [sflag:$0x3] =	stream.indirect_vreg.gather [hbm4b:s7+s3], $0x80, v2, vm0, $0xb8;
	[tilespmem:$0x12000] =	vst v63  }
0x47: {  	v2 =	vld.msk [tilespmem:$0x180], $0xff;
	_ =	sdelay $0x4  }
0x48: {  	v3 =	vshll.u32 v2, $0x3  }
0x49: {  	v2 =	vand.u32 $0x7, v2;
	v3 =	vand.u32 $0xFFFFFFC0, v3  }
0x4a: {  	v2 =	vor.u32 v2, v3  }
0x4b: {  	v2 =	vperm.xlane v2, v0;
	_ =	sdelay $0x1  }
0x4c: {  	v2 =	vadd.s32 v1, v2;
	_ =	sdelay $0x4  }
0x4d: {  	[tilespmem:s24], [sflag:$0x4] =	stream.indirect_vreg.gather [hbm4b:s1+s3], $0x80, v2, vm0, $0xb8;
	[tilespmem:$0x12000] =	vst v63  }
0x4e: {  	s31 =	simm.s32 $0x8800  }
0x4f: {  	[tilespmem:s31], [sflag:$0x4] =	stream.indirect_vreg.gather [hbm4b:s5+s3], $0x80, v2, vm0, $0xb8;
	[tilespmem:$0x12000] =	vst v63  }
0x50: {  	s13 =	simm.s32 $0x9000  }
0x51: {  	[tilespmem:s13], [sflag:$0x4] =	stream.indirect_vreg.gather [hbm4b:s6+s3], $0x80, v2, vm0, $0xb8;
	[tilespmem:$0x12000] =	vst v63  }
0x52: {  	s14 =	simm.s32 $0x9800  }
0x53: {  	[tilespmem:s14], [sflag:$0x4] =	stream.indirect_vreg.gather [hbm4b:s7+s3], $0x80, v2, vm0, $0xb8;
	[tilespmem:$0x12000] =	vst v63  }
0x54: {  	v2 =	vld.msk [tilespmem:$0x200], $0xff;
	_ =	sdelay $0x4  }
0x55: {  	v3 =	vshll.u32 v2, $0x3  }
0x56: {  	v2 =	vand.u32 $0x7, v2;
	v3 =	vand.u32 $0xFFFFFFC0, v3  }
0x57: {  	v2 =	vor.u32 v2, v3  }
0x58: {  	v2 =	vperm.xlane v2, v0;
	_ =	sdelay $0x1  }
0x59: {  	v2 =	vadd.s32 v1, v2;
	_ =	sdelay $0x4  }
0x5a: {  	[tilespmem:s28], [sflag:$0x5] =	stream.indirect_vreg.gather [hbm4b:s1+s3], $0x80, v2, vm0, $0xb8;
	[tilespmem:$0x12000] =	vst v63  }
0x5b: {  	s15 =	simm.s32 $0xA800  }
0x5c: {  	[tilespmem:s15], [sflag:$0x5] =	stream.indirect_vreg.gather [hbm4b:s5+s3], $0x80, v2, vm0, $0xb8;
	[tilespmem:$0x12000] =	vst v63  }
0x5d: {  	s18 =	simm.s32 $0xB000  }
0x5e: {  	[tilespmem:s18], [sflag:$0x5] =	stream.indirect_vreg.gather [hbm4b:s6+s3], $0x80, v2, vm0, $0xb8;
	[tilespmem:$0x12000] =	vst v63  }
0x5f: {  	s20 =	simm.s32 $0xB800  }
0x60: {  	[tilespmem:s20], [sflag:$0x5] =	stream.indirect_vreg.gather [hbm4b:s7+s3], $0x80, v2, vm0, $0xb8;
	[tilespmem:$0x12000] =	vst v63  }
0x61: {  	v2 =	vld.msk [tilespmem:$0x280], $0xff;
	_ =	sdelay $0x4  }
0x62: {  	v3 =	vshll.u32 v2, $0x3  }
0x63: {  	v2 =	vand.u32 $0x7, v2;
	v3 =	vand.u32 $0xFFFFFFC0, v3  }
0x64: {  	v2 =	vor.u32 v2, v3  }
0x65: {  	v2 =	vperm.xlane v2, v0;
	_ =	sdelay $0x1  }
0x66: {  	v2 =	vadd.s32 v1, v2;
	_ =	sdelay $0x4  }
0x67: {  	[tilespmem:s12], [sflag:$0x6] =	stream.indirect_vreg.gather [hbm4b:s1+s3], $0x80, v2, vm0, $0xb8;
	[tilespmem:$0x12000] =	vst v63  }
0x68: {  	s21 =	simm.s32 $0xC800  }
0x69: {  	[tilespmem:s21], [sflag:$0x6] =	stream.indirect_vreg.gather [hbm4b:s5+s3], $0x80, v2, vm0, $0xb8;
	[tilespmem:$0x12000] =	vst v63  }
0x6a: {  	s22 =	simm.s32 $0xD000  }
0x6b: {  	[tilespmem:s22], [sflag:$0x6] =	stream.indirect_vreg.gather [hbm4b:s6+s3], $0x80, v2, vm0, $0xb8;
	[tilespmem:$0x12000] =	vst v63  }
0x6c: {  	s24 =	simm.s32 $0xD800  }
0x6d: {  	[tilespmem:s24], [sflag:$0x6] =	stream.indirect_vreg.gather [hbm4b:s7+s3], $0x80, v2, vm0, $0xb8;
	[tilespmem:$0x12000] =	vst v63  }
0x6e: {  	v2 =	vld.msk [tilespmem:$0x300], $0xff;
	_ =	sdelay $0x4  }
0x6f: {  	v3 =	vshll.u32 v2, $0x3  }
0x70: {  	v2 =	vand.u32 $0x7, v2;
	v3 =	vand.u32 $0xFFFFFFC0, v3  }
0x71: {  	v2 =	vor.u32 v2, v3  }
0x72: {  	v2 =	vperm.xlane v2, v0;
	_ =	sdelay $0x1  }
0x73: {  	v2 =	vadd.s32 v1, v2;
	_ =	sdelay $0x4  }
0x74: {  	[tilespmem:s16], [sflag:$0x7] =	stream.indirect_vreg.gather [hbm4b:s1+s3], $0x80, v2, vm0, $0xb8;
	[tilespmem:$0x12000] =	vst v63  }
0x75: {  	s25 =	simm.s32 $0xE800  }
0x76: {  	[tilespmem:s25], [sflag:$0x7] =	stream.indirect_vreg.gather [hbm4b:s5+s3], $0x80, v2, vm0, $0xb8;
	[tilespmem:$0x12000] =	vst v63  }
0x77: {  	s26 =	simm.s32 $0xF000  }
0x78: {  	[tilespmem:s26], [sflag:$0x7] =	stream.indirect_vreg.gather [hbm4b:s6+s3], $0x80, v2, vm0, $0xb8;
	[tilespmem:$0x12000] =	vst v63  }
0x79: {  	s28 =	simm.s32 $0xF800  }
0x7a: {  	[tilespmem:s28], [sflag:$0x7] =	stream.indirect_vreg.gather [hbm4b:s7+s3], $0x80, v2, vm0, $0xb8;
	[tilespmem:$0x12000] =	vst v63  }
0x7b: {  	v2 =	vld.msk [tilespmem:$0x380], $0xff;
	_ =	sdelay $0x4  }
0x7c: {  	v3 =	vshll.u32 v2, $0x3  }
0x7d: {  	v2 =	vand.u32 $0x7, v2;
	v3 =	vand.u32 $0xFFFFFFC0, v3  }
0x7e: {  	v2 =	vor.u32 v2, v3  }
0x7f: {  	v2 =	vperm.xlane v2, v0;
	_ =	sdelay $0x1  }
0x80: {  	v2 =	vadd.s32 v1, v2;
	_ =	sdelay $0x4  }
0x81: {  	[tilespmem:s23], [sflag:$0x8] =	stream.indirect_vreg.gather [hbm4b:s1+s3], $0x80, v2, vm0, $0xb8;
	[tilespmem:$0x12000] =	vst v63  }
0x82: {  	s31 =	simm.s32 $0x10800  }
0x83: {  	[tilespmem:s31], [sflag:$0x8] =	stream.indirect_vreg.gather [hbm4b:s5+s3], $0x80, v2, vm0, $0xb8;
	[tilespmem:$0x12000] =	vst v63  }
0x84: {  	s8 =	simm.s32 $0x11800;
	s13 =	simm.s32 $0x780;
	s21 =	simm.s32 $0x11000  }
0x85: {  	[tilespmem:s21], [sflag:$0x8] =	stream.indirect_vreg.gather [hbm4b:s6+s3], $0x80, v2, vm0, $0xb8;
	[tilespmem:$0x12000] =	vst v63  }
0x86: {  	s14 =	simm.s32 $0x0;
	s18 =	simm.s32 $0x6800;
	s20 =	simm.s32 $0x7000  }
0x87: {  	[tilespmem:s8], [sflag:$0x8] =	stream.indirect_vreg.gather [hbm4b:s7+s3], $0x80, v2, vm0, $0xb8;
	[tilespmem:$0x12000] =	vst v63  }
.LBB2_2:
0x88: {  	_ =	swait.ge [sflag:s29], $0x2000  }
0x89: {  	s15 =	rddreg [dreg:$0x4];
	[sflag:s29] =	ssyncset.done $0x0  }
0x8a: {  	s26 =	simm.s32 $0x2000;
	[sflag:s29] =	ssyncadd.s32 $0xFFFFE000;
	s15 =	sadd.s32 s14, s15  }
0x8b: {  	[hbm4b:s15+s3] =	stream.linear.scatter [tilespmem:s26], [sflag:$0x9], $0x2000, $0x38;
	[tilespmem:$0x12000] =	vst v63  }
0x8c: {  	_ =	swait.ge [sflag:s17], $0x2000  }
0x8d: {  	[sflag:s17] =	ssyncset.done $0x0  }
0x8e: {  	[sflag:s17] =	ssyncadd.s32 $0xFFFFE000  }
0x8f: {  	v2 =	vld.msk [tilespmem:s13+$0xFFFFFC80], $0xff;
	_ =	sdelay $0x4  }
0x90: {  	v3 =	vshll.u32 v2, $0x3  }
0x91: {  	v2 =	vand.u32 $0x7, v2;
	v3 =	vand.u32 $0xFFFFFFC0, v3  }
0x92: {  	v2 =	vor.u32 v2, v3  }
0x93: {  	v2 =	vperm.xlane v2, v0;
	_ =	sdelay $0x1  }
0x94: {  	v2 =	vadd.s32 v1, v2;
	_ =	sdelay $0x4  }
0x95: {  	[tilespmem:s26], [sflag:$0x1] =	stream.indirect_vreg.gather [hbm4b:s1+s3], $0x80, v2, vm0, $0xb8;
	[tilespmem:$0x12000] =	vst v63  }
0x96: {  	_ = 	snop  }
0x97: {  	[tilespmem:s19], [sflag:$0x1] =	stream.indirect_vreg.gather [hbm4b:s5+s3], $0x80, v2, vm0, $0xb8;
	[tilespmem:$0x12000] =	vst v63  }
0x98: {  	s24 =	simm.s32 $0x3000  }
0x99: {  	[tilespmem:s24], [sflag:$0x1] =	stream.indirect_vreg.gather [hbm4b:s6+s3], $0x80, v2, vm0, $0xb8;
	[tilespmem:$0x12000] =	vst v63  }
0x9a: {  	s25 =	simm.s32 $0x3800  }
0x9b: {  	[tilespmem:s25], [sflag:$0x1] =	stream.indirect_vreg.gather [hbm4b:s7+s3], $0x80, v2, vm0, $0xb8;
	[tilespmem:$0x12000] =	vst v63  }
0x9c: {  	_ =	swait.ge [sflag:s30], $0x2000  }
0x9d: {  	[sflag:s30] =	ssyncset.done $0x0  }
0x9e: {  	s31 =	simm.s32 $0x4000;
	s26 =	sadd.s32 $0x400, s15;
	[sflag:s30] =	ssyncadd.s32 $0xFFFFE000  }
0x9f: {  	[hbm4b:s26+s3] =	stream.linear.scatter [tilespmem:s31], [sflag:$0x9], $0x2000, $0x38;
	[tilespmem:$0x12000] =	vst v63  }
0xa0: {  	_ =	swait.ge [sflag:s17], $0x2000  }
0xa1: {  	[sflag:s17] =	ssyncset.done $0x0  }
0xa2: {  	[sflag:s17] =	ssyncadd.s32 $0xFFFFE000  }
0xa3: {  	v2 =	vld.msk [tilespmem:s13+$0xFFFFFD00], $0xff;
	_ =	sdelay $0x4  }
0xa4: {  	v3 =	vshll.u32 v2, $0x3  }
0xa5: {  	v2 =	vand.u32 $0x7, v2;
	v3 =	vand.u32 $0xFFFFFFC0, v3  }
0xa6: {  	v2 =	vor.u32 v2, v3  }
0xa7: {  	v2 =	vperm.xlane v2, v0;
	_ =	sdelay $0x1  }
0xa8: {  	v2 =	vadd.s32 v1, v2;
	_ =	sdelay $0x4  }
0xa9: {  	[tilespmem:s31], [sflag:$0x2] =	stream.indirect_vreg.gather [hbm4b:s1+s3], $0x80, v2, vm0, $0xb8;
	[tilespmem:$0x12000] =	vst v63  }
0xaa: {  	s24 =	simm.s32 $0x4800  }
0xab: {  	[tilespmem:s24], [sflag:$0x2] =	stream.indirect_vreg.gather [hbm4b:s5+s3], $0x80, v2, vm0, $0xb8;
	[tilespmem:$0x12000] =	vst v63  }
0xac: {  	s25 =	simm.s32 $0x5000  }
0xad: {  	[tilespmem:s25], [sflag:$0x2] =	stream.indirect_vreg.gather [hbm4b:s6+s3], $0x80, v2, vm0, $0xb8;
	[tilespmem:$0x12000] =	vst v63  }
0xae: {  	s24 =	simm.s32 $0x5800  }
0xaf: {  	[tilespmem:s24], [sflag:$0x2] =	stream.indirect_vreg.gather [hbm4b:s7+s3], $0x80, v2, vm0, $0xb8;
	[tilespmem:$0x12000] =	vst v63  }
0xb0: {  	_ =	swait.ge [sflag:s2], $0x2000  }
0xb1: {  	[sflag:s2] =	ssyncset.done $0x0  }
0xb2: {  	s25 =	sadd.s32 $0x800, s15;
	s24 =	simm.s32 $0x6000;
	[sflag:s2] =	ssyncadd.s32 $0xFFFFE000  }
0xb3: {  	[hbm4b:s25+s3] =	stream.linear.scatter [tilespmem:s24], [sflag:$0x9], $0x2000, $0x38;
	[tilespmem:$0x12000] =	vst v63  }
0xb4: {  	_ =	swait.ge [sflag:s17], $0x2000  }
0xb5: {  	[sflag:s17] =	ssyncset.done $0x0  }
0xb6: {  	[sflag:s17] =	ssyncadd.s32 $0xFFFFE000  }
0xb7: {  	v2 =	vld.msk [tilespmem:s13+$0xFFFFFD80], $0xff;
	_ =	sdelay $0x4  }
0xb8: {  	v3 =	vshll.u32 v2, $0x3  }
0xb9: {  	v2 =	vand.u32 $0x7, v2;
	v3 =	vand.u32 $0xFFFFFFC0, v3  }
0xba: {  	v2 =	vor.u32 v2, v3  }
0xbb: {  	v2 =	vperm.xlane v2, v0;
	_ =	sdelay $0x1  }
0xbc: {  	v2 =	vadd.s32 v1, v2;
	_ =	sdelay $0x4  }
0xbd: {  	[tilespmem:s24], [sflag:$0x3] =	stream.indirect_vreg.gather [hbm4b:s1+s3], $0x80, v2, vm0, $0xb8;
	[tilespmem:$0x12000] =	vst v63  }
0xbe: {  	_ = 	snop  }
0xbf: {  	[tilespmem:s18], [sflag:$0x3] =	stream.indirect_vreg.gather [hbm4b:s5+s3], $0x80, v2, vm0, $0xb8;
	[tilespmem:$0x12000] =	vst v63  }
0xc0: {  	_ = 	snop  }
0xc1: {  	[tilespmem:s20], [sflag:$0x3] =	stream.indirect_vreg.gather [hbm4b:s6+s3], $0x80, v2, vm0, $0xb8;
	[tilespmem:$0x12000] =	vst v63  }
0xc2: {  	s25 =	simm.s32 $0x7800  }
0xc3: {  	[tilespmem:s25], [sflag:$0x3] =	stream.indirect_vreg.gather [hbm4b:s7+s3], $0x80, v2, vm0, $0xb8;
	[tilespmem:$0x12000] =	vst v63  }
0xc4: {  	_ =	swait.ge [sflag:s0], $0x2000  }
0xc5: {  	[sflag:s0] =	ssyncset.done $0x0  }
0xc6: {  	s28 =	simm.s32 $0x8000;
	s24 =	sadd.s32 $0xC00, s15;
	[sflag:s0] =	ssyncadd.s32 $0xFFFFE000  }
0xc7: {  	[hbm4b:s24+s3] =	stream.linear.scatter [tilespmem:s28], [sflag:$0x9], $0x2000, $0x38;
	[tilespmem:$0x12000] =	vst v63  }
0xc8: {  	_ =	swait.ge [sflag:s17], $0x2000  }
0xc9: {  	[sflag:s17] =	ssyncset.done $0x0  }
0xca: {  	[sflag:s17] =	ssyncadd.s32 $0xFFFFE000  }
0xcb: {  	v2 =	vld.msk [tilespmem:s13+$0xFFFFFE00], $0xff;
	_ =	sdelay $0x4  }
0xcc: {  	v3 =	vshll.u32 v2, $0x3  }
0xcd: {  	v2 =	vand.u32 $0x7, v2;
	v3 =	vand.u32 $0xFFFFFFC0, v3  }
0xce: {  	v2 =	vor.u32 v2, v3  }
0xcf: {  	v2 =	vperm.xlane v2, v0;
	_ =	sdelay $0x1  }
0xd0: {  	v2 =	vadd.s32 v1, v2;
	_ =	sdelay $0x4  }
0xd1: {  	[tilespmem:s28], [sflag:$0x4] =	stream.indirect_vreg.gather [hbm4b:s1+s3], $0x80, v2, vm0, $0xb8;
	[tilespmem:$0x12000] =	vst v63  }
0xd2: {  	s25 =	simm.s32 $0x8800  }
0xd3: {  	[tilespmem:s25], [sflag:$0x4] =	stream.indirect_vreg.gather [hbm4b:s5+s3], $0x80, v2, vm0, $0xb8;
	[tilespmem:$0x12000] =	vst v63  }
0xd4: {  	s25 =	simm.s32 $0x9000  }
0xd5: {  	[tilespmem:s25], [sflag:$0x4] =	stream.indirect_vreg.gather [hbm4b:s6+s3], $0x80, v2, vm0, $0xb8;
	[tilespmem:$0x12000] =	vst v63  }
0xd6: {  	s25 =	simm.s32 $0x9800  }
0xd7: {  	[tilespmem:s25], [sflag:$0x4] =	stream.indirect_vreg.gather [hbm4b:s7+s3], $0x80, v2, vm0, $0xb8;
	[tilespmem:$0x12000] =	vst v63  }
0xd8: {  	_ =	swait.ge [sflag:s4], $0x2000  }
0xd9: {  	[sflag:s4] =	ssyncset.done $0x0  }
0xda: {  	s19 =	sadd.s32 $0x1000, s15;
	s25 =	simm.s32 $0xA000;
	[sflag:s4] =	ssyncadd.s32 $0xFFFFE000  }
0xdb: {  	[hbm4b:s19+s3] =	stream.linear.scatter [tilespmem:s25], [sflag:$0x9], $0x2000, $0x38;
	[tilespmem:$0x12000] =	vst v63  }
0xdc: {  	_ =	swait.ge [sflag:s17], $0x2000  }
0xdd: {  	[sflag:s17] =	ssyncset.done $0x0  }
0xde: {  	[sflag:s17] =	ssyncadd.s32 $0xFFFFE000  }
0xdf: {  	v2 =	vld.msk [tilespmem:s13+$0xFFFFFE80], $0xff;
	_ =	sdelay $0x4  }
0xe0: {  	v3 =	vshll.u32 v2, $0x3  }
0xe1: {  	v2 =	vand.u32 $0x7, v2;
	v3 =	vand.u32 $0xFFFFFFC0, v3  }
0xe2: {  	v2 =	vor.u32 v2, v3  }
0xe3: {  	v2 =	vperm.xlane v2, v0;
	_ =	sdelay $0x1  }
0xe4: {  	v2 =	vadd.s32 v1, v2;
	_ =	sdelay $0x4  }
0xe5: {  	[tilespmem:s25], [sflag:$0x5] =	stream.indirect_vreg.gather [hbm4b:s1+s3], $0x80, v2, vm0, $0xb8;
	[tilespmem:$0x12000] =	vst v63  }
0xe6: {  	s25 =	simm.s32 $0xA800  }
0xe7: {  	[tilespmem:s25], [sflag:$0x5] =	stream.indirect_vreg.gather [hbm4b:s5+s3], $0x80, v2, vm0, $0xb8;
	[tilespmem:$0x12000] =	vst v63  }
0xe8: {  	s25 =	simm.s32 $0xB000  }
0xe9: {  	[tilespmem:s25], [sflag:$0x5] =	stream.indirect_vreg.gather [hbm4b:s6+s3], $0x80, v2, vm0, $0xb8;
	[tilespmem:$0x12000] =	vst v63  }
0xea: {  	s25 =	simm.s32 $0xB800  }
0xeb: {  	[tilespmem:s25], [sflag:$0x5] =	stream.indirect_vreg.gather [hbm4b:s7+s3], $0x80, v2, vm0, $0xb8;
	[tilespmem:$0x12000] =	vst v63  }
0xec: {  	_ =	swait.ge [sflag:s9], $0x2000  }
0xed: {  	[sflag:s9] =	ssyncset.done $0x0  }
0xee: {  	s25 =	sadd.s32 $0x1400, s15;
	[sflag:s9] =	ssyncadd.s32 $0xFFFFE000  }
0xef: {  	[hbm4b:s25+s3] =	stream.linear.scatter [tilespmem:s12], [sflag:$0x9], $0x2000, $0x38;
	[tilespmem:$0x12000] =	vst v63  }
0xf0: {  	_ =	swait.ge [sflag:s17], $0x2000  }
0xf1: {  	[sflag:s17] =	ssyncset.done $0x0  }
0xf2: {  	[sflag:s17] =	ssyncadd.s32 $0xFFFFE000  }
0xf3: {  	v2 =	vld.msk [tilespmem:s13+$0xFFFFFF00], $0xff;
	_ =	sdelay $0x4  }
0xf4: {  	v3 =	vshll.u32 v2, $0x3  }
0xf5: {  	v2 =	vand.u32 $0x7, v2;
	v3 =	vand.u32 $0xFFFFFFC0, v3  }
0xf6: {  	v2 =	vor.u32 v2, v3  }
0xf7: {  	v2 =	vperm.xlane v2, v0;
	_ =	sdelay $0x1  }
0xf8: {  	v2 =	vadd.s32 v1, v2;
	_ =	sdelay $0x4  }
0xf9: {  	[tilespmem:s12], [sflag:$0x6] =	stream.indirect_vreg.gather [hbm4b:s1+s3], $0x80, v2, vm0, $0xb8;
	[tilespmem:$0x12000] =	vst v63  }
0xfa: {  	s25 =	simm.s32 $0xC800  }
0xfb: {  	[tilespmem:s25], [sflag:$0x6] =	stream.indirect_vreg.gather [hbm4b:s5+s3], $0x80, v2, vm0, $0xb8;
	[tilespmem:$0x12000] =	vst v63  }
0xfc: {  	s25 =	simm.s32 $0xD000  }
0xfd: {  	[tilespmem:s25], [sflag:$0x6] =	stream.indirect_vreg.gather [hbm4b:s6+s3], $0x80, v2, vm0, $0xb8;
	[tilespmem:$0x12000] =	vst v63  }
0xfe: {  	s25 =	simm.s32 $0xD800  }
0xff: {  	[tilespmem:s25], [sflag:$0x6] =	stream.indirect_vreg.gather [hbm4b:s7+s3], $0x80, v2, vm0, $0xb8;
	[tilespmem:$0x12000] =	vst v63  }
0x100: {  	_ =	swait.ge [sflag:s10], $0x2000  }
0x101: {  	[sflag:s10] =	ssyncset.done $0x0  }
0x102: {  	s25 =	sadd.s32 $0x1800, s15;
	[sflag:s10] =	ssyncadd.s32 $0xFFFFE000  }
0x103: {  	[hbm4b:s25+s3] =	stream.linear.scatter [tilespmem:s16], [sflag:$0x9], $0x2000, $0x38;
	[tilespmem:$0x12000] =	vst v63  }
0x104: {  	_ =	swait.ge [sflag:s17], $0x2000  }
0x105: {  	[sflag:s17] =	ssyncset.done $0x0  }
0x106: {  	[sflag:s17] =	ssyncadd.s32 $0xFFFFE000  }
0x107: {  	v2 =	vld.msk [tilespmem:s13+$0xFFFFFF80], $0xff;
	_ =	sdelay $0x4  }
0x108: {  	v3 =	vshll.u32 v2, $0x3  }
0x109: {  	v2 =	vand.u32 $0x7, v2;
	v3 =	vand.u32 $0xFFFFFFC0, v3  }
0x10a: {  	v2 =	vor.u32 v2, v3  }
0x10b: {  	v2 =	vperm.xlane v2, v0;
	_ =	sdelay $0x1  }
0x10c: {  	v2 =	vadd.s32 v1, v2;
	_ =	sdelay $0x4  }
0x10d: {  	[tilespmem:s16], [sflag:$0x7] =	stream.indirect_vreg.gather [hbm4b:s1+s3], $0x80, v2, vm0, $0xb8;
	[tilespmem:$0x12000] =	vst v63  }
0x10e: {  	s25 =	simm.s32 $0xE800  }
0x10f: {  	[tilespmem:s25], [sflag:$0x7] =	stream.indirect_vreg.gather [hbm4b:s5+s3], $0x80, v2, vm0, $0xb8;
	[tilespmem:$0x12000] =	vst v63  }
0x110: {  	s25 =	simm.s32 $0xF000  }
0x111: {  	[tilespmem:s25], [sflag:$0x7] =	stream.indirect_vreg.gather [hbm4b:s6+s3], $0x80, v2, vm0, $0xb8;
	[tilespmem:$0x12000] =	vst v63  }
0x112: {  	s25 =	simm.s32 $0xF800  }
0x113: {  	[tilespmem:s25], [sflag:$0x7] =	stream.indirect_vreg.gather [hbm4b:s7+s3], $0x80, v2, vm0, $0xb8;
	[tilespmem:$0x12000] =	vst v63  }
0x114: {  	_ =	swait.ge [sflag:s11], $0x2000  }
0x115: {  	[sflag:s11] =	ssyncset.done $0x0  }
0x116: {  	s15 =	sadd.s32 $0x1C00, s15;
	[sflag:s11] =	ssyncadd.s32 $0xFFFFE000  }
0x117: {  	[hbm4b:s15+s3] =	stream.linear.scatter [tilespmem:s23], [sflag:$0x9], $0x2000, $0x38;
	[tilespmem:$0x12000] =	vst v63  }
0x118: {  	_ =	swait.ge [sflag:s17], $0x2000  }
0x119: {  	[sflag:s17] =	ssyncset.done $0x0  }
0x11a: {  	[sflag:s17] =	ssyncadd.s32 $0xFFFFE000  }
0x11b: {  	v2 =	vld.msk [tilespmem:s13+$0x0], $0xff;
	_ =	sdelay $0x4  }
0x11c: {  	v3 =	vshll.u32 v2, $0x3  }
0x11d: {  	v2 =	vand.u32 $0x7, v2;
	v3 =	vand.u32 $0xFFFFFFC0, v3  }
0x11e: {  	v2 =	vor.u32 v2, v3  }
0x11f: {  	v2 =	vperm.xlane v2, v0;
	_ =	sdelay $0x1  }
0x120: {  	v2 =	vadd.s32 v1, v2;
	_ =	sdelay $0x4  }
0x121: {  	[tilespmem:s23], [sflag:$0x8] =	stream.indirect_vreg.gather [hbm4b:s1+s3], $0x80, v2, vm0, $0xb8;
	[tilespmem:$0x12000] =	vst v63  }
0x122: {  	p0 =	sne.s32 s14, $0xC000;
	s25 =	simm.s32 $0x10800  }
0x123: {  	[tilespmem:s25], [sflag:$0x8] =	stream.indirect_vreg.gather [hbm4b:s5+s3], $0x80, v2, vm0, $0xb8;
	[tilespmem:$0x12000] =	vst v63  }
.Ltmp0:
0x124: {  	s22 =	simm.s32 $0x2000;
	s14 =	sadd.s32 $0x2000, s14;
	(pc) =	sbr.rel @p0 .LBB2_2-.Ltmp0, $4  }
0x125: {  	s26 =	simm.s32 $0x4000;
	s31 =	simm.s32 $0x6000;
	s24 =	simm.s32 $0x8000  }
0x126: {  	[tilespmem:s21], [sflag:$0x8] =	stream.indirect_vreg.gather [hbm4b:s6+s3], $0x80, v2, vm0, $0xb8;
	[tilespmem:$0x12000] =	vst v63  }
0x127: {  	s28 =	simm.s32 $0xA000;
	s19 =	simm.s32 $0x2800;
	s13 =	sadd.s32 $0x400, s13  }
0x128: {  	[tilespmem:s8], [sflag:$0x8] =	stream.indirect_vreg.gather [hbm4b:s7+s3], $0x80, v2, vm0, $0xb8;
	[tilespmem:$0x12000] =	vst v63  }
0x129: {  	_ =	swait.ge [sflag:s29], $0x2000  }
0x12a: {  	[sflag:s29] =	ssyncset.done $0x0  }
0x12b: {  	s13 =	rddreg [dreg:$0x6];
	[sflag:s29] =	ssyncadd.s32 $0xFFFFE000  }
0x12c: {  	[hbm4b:s13+s3] =	stream.linear.scatter [tilespmem:s22], [sflag:$0x9], $0x2000, $0x38;
	[tilespmem:$0x12000] =	vst v63  }
0x12d: {  	_ =	swait.ge [sflag:s17], $0x2000  }
0x12e: {  	[sflag:s17] =	ssyncset.done $0x0  }
0x12f: {  	[sflag:s17] =	ssyncadd.s32 $0xFFFFE000  }
0x130: {  	_ =	swait.ge [sflag:s30], $0x2000  }
0x131: {  	[sflag:s30] =	ssyncset.done $0x0  }
0x132: {  	s25 =	rddreg [dreg:$0x7];
	[sflag:s30] =	ssyncadd.s32 $0xFFFFE000  }
0x133: {  	[hbm4b:s25+s3] =	stream.linear.scatter [tilespmem:s26], [sflag:$0x9], $0x2000, $0x38;
	[tilespmem:$0x12000] =	vst v63  }
0x134: {  	_ =	swait.ge [sflag:s17], $0x2000  }
0x135: {  	[sflag:s17] =	ssyncset.done $0x0  }
0x136: {  	[sflag:s17] =	ssyncadd.s32 $0xFFFFE000  }
0x137: {  	_ =	swait.ge [sflag:s2], $0x2000  }
0x138: {  	[sflag:s2] =	ssyncset.done $0x0  }
0x139: {  	s8 =	rddreg [dreg:$0x8];
	[sflag:s2] =	ssyncadd.s32 $0xFFFFE000  }
0x13a: {  	[hbm4b:s8+s3] =	stream.linear.scatter [tilespmem:s31], [sflag:$0x9], $0x2000, $0x38;
	[tilespmem:$0x12000] =	vst v63  }
0x13b: {  	_ =	swait.ge [sflag:s17], $0x2000  }
0x13c: {  	[sflag:s17] =	ssyncset.done $0x0  }
0x13d: {  	[sflag:s17] =	ssyncadd.s32 $0xFFFFE000  }
0x13e: {  	_ =	swait.ge [sflag:s0], $0x2000  }
0x13f: {  	[sflag:s0] =	ssyncset.done $0x0  }
0x140: {  	s14 =	rddreg [dreg:$0x9];
	[sflag:s0] =	ssyncadd.s32 $0xFFFFE000  }
0x141: {  	[hbm4b:s14+s3] =	stream.linear.scatter [tilespmem:s24], [sflag:$0x9], $0x2000, $0x38;
	[tilespmem:$0x12000] =	vst v63  }
0x142: {  	_ =	swait.ge [sflag:s17], $0x2000  }
0x143: {  	[sflag:s17] =	ssyncset.done $0x0  }
0x144: {  	[sflag:s17] =	ssyncadd.s32 $0xFFFFE000  }
0x145: {  	_ =	swait.ge [sflag:s4], $0x2000  }
0x146: {  	[sflag:s4] =	ssyncset.done $0x0  }
0x147: {  	s15 =	rddreg [dreg:$0xa];
	[sflag:s4] =	ssyncadd.s32 $0xFFFFE000  }
0x148: {  	[hbm4b:s15+s3] =	stream.linear.scatter [tilespmem:s28], [sflag:$0x9], $0x2000, $0x38;
	[tilespmem:$0x12000] =	vst v63  }
0x149: {  	_ =	swait.ge [sflag:s17], $0x2000  }
0x14a: {  	[sflag:s17] =	ssyncset.done $0x0  }
0x14b: {  	[sflag:s17] =	ssyncadd.s32 $0xFFFFE000  }
0x14c: {  	_ =	swait.ge [sflag:s9], $0x2000  }
0x14d: {  	[sflag:s9] =	ssyncset.done $0x0  }
0x14e: {  	s18 =	rddreg [dreg:$0xb];
	[sflag:s9] =	ssyncadd.s32 $0xFFFFE000  }
0x14f: {  	[hbm4b:s18+s3] =	stream.linear.scatter [tilespmem:s12], [sflag:$0x9], $0x2000, $0x38;
	[tilespmem:$0x12000] =	vst v63  }
0x150: {  	_ =	swait.ge [sflag:s17], $0x2000  }
0x151: {  	[sflag:s17] =	ssyncset.done $0x0  }
0x152: {  	[sflag:s17] =	ssyncadd.s32 $0xFFFFE000  }
0x153: {  	_ =	swait.ge [sflag:s10], $0x2000  }
0x154: {  	[sflag:s10] =	ssyncset.done $0x0  }
0x155: {  	s20 =	rddreg [dreg:$0xc];
	[sflag:s10] =	ssyncadd.s32 $0xFFFFE000  }
0x156: {  	[hbm4b:s20+s3] =	stream.linear.scatter [tilespmem:s16], [sflag:$0x9], $0x2000, $0x38;
	[tilespmem:$0x12000] =	vst v63  }
0x157: {  	_ =	swait.ge [sflag:s17], $0x2000  }
0x158: {  	[sflag:s17] =	ssyncset.done $0x0  }
0x159: {  	[sflag:s17] =	ssyncadd.s32 $0xFFFFE000  }
0x15a: {  	_ =	swait.ge [sflag:s11], $0x2000  }
0x15b: {  	[sflag:s11] =	ssyncset.done $0x0  }
0x15c: {  	s21 =	rddreg [dreg:$0xd];
	[sflag:s11] =	ssyncadd.s32 $0xFFFFE000  }
0x15d: {  	[hbm4b:s21+s3] =	stream.linear.scatter [tilespmem:s23], [sflag:$0x9], $0x2000, $0x38;
	[tilespmem:$0x12000] =	vst v63  }
0x15e: {  	_ =	swait.ge [sflag:s17], $0x2000  }
0x15f: {  	s8 =	rddreg [dreg:$0xf]  }
0x160: {  	s25 =	rddreg [dreg:$0xe];
	s8 =	sadd.s32 $0x1, s8  }
0x161: {  	p0 =	sne.s32 s8, s25  }
.Ltmp1:
0x162: {  	_ = 	snop;
	(pc) =	sbr.rel @p0 .LBB2_1-.Ltmp1, $4  }
0x163: {  	s14 =	simm.s32 $0x3000  }
0x164: {  	s15 =	simm.s32 $0x3800;
	s18 =	simm.s32 $0x6800;
	[sflag:s17] =	ssyncset.done $0x0  }
0x165: {  	s20 =	simm.s32 $0x4800;
	s21 =	simm.s32 $0x5000;
	[sflag:s17] =	ssyncadd.s32 $0xFFFFE000  }
0x166: {  	[dreg:$0xf] =	wrdreg s8;
	s25 =	simm.s32 $0x5800;
	s8 =	simm.s32 $0x7800  }
0x167: {  	_ =	sfence.sel $0x180000  }
0x168: {  	[bflag:$0x0] =	sbarrier.arrive $0xFFFF  }
0x169: {  	_ =	strace $0x90000047  }
0x16a: {  	s0 =	stileid.u32;
	[bflag:$0x2] =	sbarrier.arrive $0xFFFF  }
0x16b: {  	p0 =	sne.s32 s0, $0x0;
	s0 =	rddreg [dreg:$0x3]  }
0x16c: {  	s0 =	sadd.s32 @!p0 $0x100000, s0  }
0x16d: {  	[sflag:s0] =	ssyncadd.tile.s32 @!p0 $0x1;
	_ =	shalt  }
.Lfunc_end2:
_tile_overlayer_lowered:
.L_overlay_start_2:
0x16e: {  	(tag) =	ssettag $0x2  }
0x16f: {  	s0 =	rddreg [dreg:$0x0];
	s2 =	stileid.u32  }
0x170: {  	s1 =	rddreg [dreg:$0x1];
	p0 =	sne.s32 s2, $0x0  }
0x171: {  	s3 =	rddreg [dreg:$0x2];
	[bflag:$0x3] =	sbarrier.arrive $0xFFFF;
	s2 =	simm.s32 @!p0 $0x1C09  }
0x172: {  	[timem:s3], [sflag:s2] =	dma.local @!p0 [hbm:s0], s1  }
0x173: {  	s0 =	simm.s32 @!p0 $0x9  }
0x174: {  	_ =	swait.ge @!p0 [sflag:s0], s1  }
0x175: {  	s1 =	ssub.s32 @!p0 $0x0, s1;
	[sflag:s0] =	ssyncset.done @!p0 $0x0  }
0x176: {  	[sflag:s0] =	ssyncadd.s32 @!p0 s1  }
0x177: {  	[bflag:$0x3] =	sbarrier.arrive $0xFFFF  }
0x178: {  	_ =	shalt  }

</sc_bundles>
